<compile_context>
chip_gen: v7x
topology: tpu7x:2x2x1
jax: 0.10.2.dev20260603
libtpu: 0.0.44.dev20260713+nightly
codegen_flags: <defaults>
</compile_context>

<pallas_src>
import functools

import jax
import jax.numpy as jnp
from jax import lax
from jax.experimental import pallas as pl
from jax.experimental.pallas import tpu as pltpu
from jax.experimental.pallas import tpu_sc as plsc

_L = 16


@functools.lru_cache(maxsize=None)
def _make_lookup(V, D, B0, B1):
    info = plsc.get_sparse_core_info()
    NC, NS = info.num_cores, info.num_subcores
    NW = NC * NS
    assert D == 32 and B0 % (NW * 128) == 0
    W = B0 // NW
    TC_W = W // 128
    mesh = plsc.VectorSubcoreMesh(core_axis_name="c", subcore_axis_name="s")

    @functools.partial(
        pl.kernel,
        mesh=mesh,
        out_type=jax.ShapeDtypeStruct((B1, D // 8, B0 // 128, 8, 128),
                                      jnp.float32),
        scratch_types=[
            pltpu.VMEM((B1, W), jnp.int32),
            pltpu.VMEM((W, D), jnp.float32),
            pltpu.VMEM((W, D), jnp.float32),
            pltpu.VMEM((D // 8, TC_W, 10, 129), jnp.float32),
            pltpu.VMEM((D // 8, TC_W, 10, 129), jnp.float32),
            pltpu.SemaphoreType.DMA,
            pltpu.SemaphoreType.DMA,
            pltpu.SemaphoreType.DMA,
            pltpu.SemaphoreType.DMA,
        ],
        compiler_params=pltpu.CompilerParams(
            use_tc_tiling_on_sc=False, needs_layout_passes=False),
    )
    def k(tbl_hbm, xt_hbm, out_hbm, xb, rows0, rows1, ob0, ob1,
          sg0, sg1, so0, so1):
        wid = lax.axis_index("s") * NC + lax.axis_index("c")
        b0_base = wid * W
        tc0 = wid * TC_W
        rows = (rows0, rows1)
        ob = (ob0, ob1)
        sg = (sg0, sg1)
        so = (so0, so1)
        lane = lax.iota(jnp.int32, _L)

        pltpu.sync_copy(xt_hbm.at[:, pl.ds(b0_base, W)], xb)

        def gather_copy(c, buf):
            return pltpu.make_async_copy(
                tbl_hbm.at[xb.at[c]], rows[buf], sg[buf])

        def body(c, buf):
            @pl.when(c + 1 < B1)
            def _():
                gather_copy(c + 1, 1 - buf).start()
            gather_copy(c, buf).wait()
            @pl.when(c >= 2)
            def _():
                pltpu.make_async_copy(
                    ob[buf].at[:, :, pl.ds(0, 8), pl.ds(0, 128)],
                    out_hbm.at[0, :, pl.ds(0, TC_W)],
                    so[buf]).wait()
            trv = (lane // 8, 2 + lane // 8)
            sv = lax.rem(lane, 8)

            @pl.loop(0, W, unroll=8)
            def _(j):
                jcv = jnp.full((_L,), 0, jnp.int32) + (j // 128)
                lv = jnp.full((_L,), 0, jnp.int32) + lax.rem(j, 128)
                for kk in range(2):
                    vals = rows[buf][j, pl.ds(kk * _L, _L)]
                    plsc.store_scatter(
                        ob[buf], [trv[kk], jcv, sv, lv], vals)

            pltpu.async_copy(
                ob[buf].at[:, :, pl.ds(0, 8), pl.ds(0, 128)],
                out_hbm.at[c, :, pl.ds(tc0, TC_W)], so[buf])

        gather_copy(0, 0).start()

        @pl.loop(0, B1)
        def _(c):
            buf = lax.rem(c, 2)

            @pl.when(buf == 0)
            def _():
                body(c, 0)

            @pl.when(buf == 1)
            def _():
                body(c, 1)

        pltpu.make_async_copy(
            ob0.at[:, :, pl.ds(0, 8), pl.ds(0, 128)],
            out_hbm.at[0, :, pl.ds(0, TC_W)], so0).wait()
        pltpu.make_async_copy(
            ob1.at[:, :, pl.ds(0, 8), pl.ds(0, 128)],
            out_hbm.at[0, :, pl.ds(0, TC_W)], so1).wait()

    return k


def kernel(x, embeddings):
    V, D = embeddings.shape
    B0, B1 = x.shape
    xt = x.T.astype(jnp.int32)
    out5 = _make_lookup(V, D, B0, B1)(embeddings, xt)
    out = out5.transpose(0, 1, 3, 2, 4).reshape(B1, D, B0)
    return out.transpose(2, 0, 1)

# --- scband reference (transcript-rebuilt; emitter-appended) ---
"""Pipeline reference for scband-embedding-16544214024726 (READ-ONLY COPY).

The authoritative reference and input builder live on the scoring server;
editing this copy changes nothing except your own understanding.
"""

import jax, jax.numpy as jnp
import numpy as np

VOCAB = 1000000
DIM = 32
BATCH = 16384
HIST = 50
INIT_STD = 1.0

def _truncated_normal_init(key, shape, std=1.0, lower=-2.0, upper=2.0, dtype=jnp.float32):
    if std == 0.0:
        return jnp.zeros(shape, dtype=dtype)
    t = jax.random.normal(key, shape, dtype=dtype) * std
    return jnp.clip(t, lower * std, upper * std)

def setup_inputs(seed: int = 0) -> dict:
    key = jax.random.key(seed)
    k_idx, k_emb = jax.random.split(key)
    x = jax.random.randint(k_idx, (BATCH, HIST), 0, VOCAB, dtype=jnp.int64 if jax.config.jax_enable_x64 else jnp.int32)
    embeddings = _truncated_normal_init(k_emb, (VOCAB, DIM), std=INIT_STD)
    return {"x": x, "embeddings": embeddings}

def reference(x, embeddings):
    # Faithful translation of Embedding.forward: self.embeddings[x]
    return jnp.take(embeddings, x, axis=0)

if __name__ == "__main__":
    import jax
    _d = setup_inputs()
    print(jax.jit(kernel)(*tuple(_d.values())))

</pallas_src>

<mosaic_0001>
#map = affine_map<(d0, d1) -> (0, 0)>
#map1 = affine_map<(d0, d1) -> (0, 0, 0, 0, 0)>
module attributes {stable_mosaic.version = 14 : i64} {
  func.func @k(%arg0: i32, %arg1: i32, %arg2: memref<1000000x32xf32, #tpu.memory_space<hbm>>, %arg3: memref<50x16384xi32, #tpu.memory_space<hbm>>, %arg4: memref<50x4x128x8x128xf32, #tpu.memory_space<hbm>>, %arg5: memref<50x512xi32, #tpu.memory_space<vmem>>, %arg6: memref<512x32xf32, #tpu.memory_space<vmem>>, %arg7: memref<512x32xf32, #tpu.memory_space<vmem>>, %arg8: memref<4x4x10x129xf32, #tpu.memory_space<vmem>>, %arg9: memref<4x4x10x129xf32, #tpu.memory_space<vmem>>, %arg10: memref<!tpu.dma_semaphore, #tpu.memory_space<semaphore_mem>>, %arg11: memref<!tpu.dma_semaphore, #tpu.memory_space<semaphore_mem>>, %arg12: memref<!tpu.dma_semaphore, #tpu.memory_space<semaphore_mem>>, %arg13: memref<!tpu.dma_semaphore, #tpu.memory_space<semaphore_mem>>) attributes {dimension_semantics = [#tpu.dimension_semantics<core_parallel>, #tpu.dimension_semantics<subcore_parallel>], iteration_bounds = array<i64: 2, 16>, scalar_prefetch = 0 : i64, scratch_operands = 9 : i64, tpu.core_type = #tpu.core_type<sc_vector_subcore>, window_params = [{transform_indices = #map}, {transform_indices = #map}, {transform_indices = #map1}]} {
    %mul3A = arith.constant 2 : i32
    %mul3A_0 = arith.muli %arg1, %mul3A : i32
    %add3A = arith.addi %mul3A_0, %arg0 : i32
    %mul3A_1 = arith.constant 512 : i32
    %mul3A_2 = arith.muli %add3A, %mul3A_1 : i32
    %mul3A_3 = arith.constant 4 : i32
    %mul3A_4 = arith.muli %add3A, %mul3A_3 : i32
    %iota3A = tpu.iota {dimensions = array<i32: 0>} : vector<16xi32>
    "tpu.region"() ({
      %run_scoped3A = tpu.sem_alloc : memref<!tpu.dma_semaphore, #tpu.memory_space<semaphore_mem>>
      %dma_start3A_60 = arith.constant 0 : i32
      %dma_start3A_61 = tpu.memref_slice %arg3[%dma_start3A_60, %mul3A_2] : memref<50x16384xi32, #tpu.memory_space<hbm>> -> memref<50x512xi32, #tpu.memory_space<hbm>>
      %dma_start3A_62 = arith.constant 0 : i32
      %dma_start3A_63 = tpu.memref_slice %arg3[%dma_start3A_62, %mul3A_2] : memref<50x16384xi32, #tpu.memory_space<hbm>> -> memref<50x512xi32, #tpu.memory_space<hbm>>
      tpu.enqueue_dma source(%dma_start3A_63 : memref<50x512xi32, #tpu.memory_space<hbm>>) target(%arg5 : memref<50x512xi32, #tpu.memory_space<vmem>>) target_semaphore(%run_scoped3A : memref<!tpu.dma_semaphore, #tpu.memory_space<semaphore_mem>>)
      %dma_wait3A_64 = arith.constant 0 : i32
      %dma_wait3A_65 = tpu.memref_slice %arg3[%dma_wait3A_64, %mul3A_2] : memref<50x16384xi32, #tpu.memory_space<hbm>> -> memref<50x512xi32, #tpu.memory_space<hbm>>
      %dma_wait3A_66 = arith.constant 0 : i32
      %dma_wait3A_67 = tpu.memref_slice %arg3[%dma_wait3A_66, %mul3A_2] : memref<50x16384xi32, #tpu.memory_space<hbm>> -> memref<50x512xi32, #tpu.memory_space<hbm>>
      tpu.wait_dma2 semaphore(%run_scoped3A : memref<!tpu.dma_semaphore, #tpu.memory_space<semaphore_mem>>) src(%dma_wait3A_67 : memref<50x512xi32, #tpu.memory_space<hbm>>) dst(%arg5 : memref<50x512xi32, #tpu.memory_space<vmem>>)
      tpu.yield
    }) : () -> ()
    %dma_start3A = arith.constant 0 : i32
    %dma_start3A_5 = arith.constant 0 : i32
    %dma_start3A_6 = tpu.memref_slice %arg5[%dma_start3A, %dma_start3A_5] : memref<50x512xi32, #tpu.memory_space<vmem>> -> memref<1x512xi32, #tpu.memory_space<vmem>>
    %dma_start3A_7 = tpu.memref_squeeze %dma_start3A_6 : memref<1x512xi32, #tpu.memory_space<vmem>> -> memref<512xi32, #tpu.memory_space<vmem>>
    %dma_start3A_8 = arith.constant 0 : i32
    %dma_start3A_9 = arith.constant 0 : i32
    %dma_start3A_10 = tpu.memref_slice %arg2[%dma_start3A_8, %dma_start3A_9] : memref<1000000x32xf32, #tpu.memory_space<hbm>> -> memref<1000000x32xf32, #tpu.memory_space<hbm>>
    tpu.enqueue_indirect_dma source(%dma_start3A_10 : memref<1000000x32xf32, #tpu.memory_space<hbm>>) target(%arg6 : memref<512x32xf32, #tpu.memory_space<vmem>>) offsets(%dma_start3A_7 : memref<512xi32, #tpu.memory_space<vmem>>) semaphore(%arg10 : memref<!tpu.dma_semaphore, #tpu.memory_space<semaphore_mem>>)
    %scan3A = arith.constant 0 : i32
    %scan3A_11 = arith.constant 50 : i32
    %scan3A_12 = arith.addi %scan3A, %scan3A_11 : i32
    %scan3A_13 = arith.constant 1 : i32
    scf.for %scan3A_60 = %scan3A to %scan3A_12 step %scan3A_13  : i32 {
      %mul3A_61 = arith.constant 1 : i32
      %mul3A_62 = arith.muli %scan3A_60, %mul3A_61 : i32
      %add3A_63 = arith.constant 0 : i32
      %add3A_64 = arith.addi %add3A_63, %mul3A_62 : i32
      %rem3A = arith.constant 2 : i32
      %rem3A_65 = arith.remsi %add3A_64, %rem3A : i32
      %eq3A = arith.constant 0 : i32
      %eq3A_66 = arith.cmpi eq, %rem3A_65, %eq3A : i32
      %convert_element_type3A = arith.extui %eq3A_66 : i1 to i32
      %cond3A = arith.constant 0 : i32
      %cond3A_67 = arith.cmpi ne, %convert_element_type3A, %cond3A : i32
      scf.if %cond3A_67 {
        %add3A_73 = arith.constant 1 : i32
        %add3A_74 = arith.addi %add3A_64, %add3A_73 : i32
        %lt3A = arith.constant 50 : i32
        %lt3A_75 = arith.cmpi slt, %add3A_74, %lt3A : i32
        %convert_element_type3A_76 = arith.extui %lt3A_75 : i1 to i32
        %cond3A_77 = arith.constant 0 : i32
        %cond3A_78 = arith.cmpi ne, %convert_element_type3A_76, %cond3A_77 : i32
        scf.if %cond3A_78 {
          %add3A_175 = arith.constant 1 : i32
          %add3A_176 = arith.addi %add3A_64, %add3A_175 : i32
          %dma_start3A_177 = arith.constant 0 : i32
          %dma_start3A_178 = tpu.memref_slice %arg5[%add3A_176, %dma_start3A_177] : memref<50x512xi32, #tpu.memory_space<vmem>> -> memref<1x512xi32, #tpu.memory_space<vmem>>
          %dma_start3A_179 = tpu.memref_squeeze %dma_start3A_178 : memref<1x512xi32, #tpu.memory_space<vmem>> -> memref<512xi32, #tpu.memory_space<vmem>>
          %dma_start3A_180 = arith.constant 0 : i32
          %dma_start3A_181 = arith.constant 0 : i32
          %dma_start3A_182 = tpu.memref_slice %arg2[%dma_start3A_180, %dma_start3A_181] : memref<1000000x32xf32, #tpu.memory_space<hbm>> -> memref<1000000x32xf32, #tpu.memory_space<hbm>>
          tpu.enqueue_indirect_dma source(%dma_start3A_182 : memref<1000000x32xf32, #tpu.memory_space<hbm>>) target(%arg7 : memref<512x32xf32, #tpu.memory_space<vmem>>) offsets(%dma_start3A_179 : memref<512xi32, #tpu.memory_space<vmem>>) semaphore(%arg11 : memref<!tpu.dma_semaphore, #tpu.memory_space<semaphore_mem>>)
        } else {
        }
        %dma_wait3A_79 = arith.constant 0 : i32
        %dma_wait3A_80 = tpu.memref_slice %arg5[%add3A_64, %dma_wait3A_79] : memref<50x512xi32, #tpu.memory_space<vmem>> -> memref<1x512xi32, #tpu.memory_space<vmem>>
        %dma_wait3A_81 = tpu.memref_squeeze %dma_wait3A_80 : memref<1x512xi32, #tpu.memory_space<vmem>> -> memref<512xi32, #tpu.memory_space<vmem>>
        %dma_wait3A_82 = arith.constant 0 : i32
        %dma_wait3A_83 = arith.constant 0 : i32
        %dma_wait3A_84 = tpu.memref_slice %arg2[%dma_wait3A_82, %dma_wait3A_83] : memref<1000000x32xf32, #tpu.memory_space<hbm>> -> memref<1000000x32xf32, #tpu.memory_space<hbm>>
        tpu.wait_indirect_dma semaphore(%arg10 : memref<!tpu.dma_semaphore, #tpu.memory_space<semaphore_mem>>) src(%dma_wait3A_84 : memref<1000000x32xf32, #tpu.memory_space<hbm>>) dst(%arg6 : memref<512x32xf32, #tpu.memory_space<vmem>>)
        %ge3A = arith.constant 2 : i32
        %ge3A_85 = arith.cmpi sge, %add3A_64, %ge3A : i32
        %convert_element_type3A_86 = arith.extui %ge3A_85 : i1 to i32
        %cond3A_87 = arith.constant 0 : i32
        %cond3A_88 = arith.cmpi ne, %convert_element_type3A_86, %cond3A_87 : i32
        scf.if %cond3A_88 {
          %dma_wait3A_175 = arith.constant 0 : i32
          %dma_wait3A_176 = arith.constant 0 : i32
          %dma_wait3A_177 = arith.constant 0 : i32
          %dma_wait3A_178 = arith.constant 0 : i32
          %dma_wait3A_179 = arith.constant 0 : i32
          %dma_wait3A_180 = tpu.memref_slice %arg8[%dma_wait3A_176, %dma_wait3A_177, %dma_wait3A_178, %dma_wait3A_179] : memref<4x4x10x129xf32, #tpu.memory_space<vmem>> -> memref<4x4x8x128xf32, #tpu.memory_space<vmem>>
          %dma_wait3A_181 = arith.constant 0 : i32
          %dma_wait3A_182 = arith.constant 0 : i32
          %dma_wait3A_183 = arith.constant 0 : i32
          %dma_wait3A_184 = arith.constant 0 : i32
          %dma_wait3A_185 = tpu.memref_slice %arg4[%dma_wait3A_175, %dma_wait3A_181, %dma_wait3A_182, %dma_wait3A_183, %dma_wait3A_184] : memref<50x4x128x8x128xf32, #tpu.memory_space<hbm>> -> memref<1x4x4x8x128xf32, #tpu.memory_space<hbm>>
          %dma_wait3A_186 = tpu.memref_squeeze %dma_wait3A_185 : memref<1x4x4x8x128xf32, #tpu.memory_space<hbm>> -> memref<4x4x8x128xf32, #tpu.memory_space<hbm>>
          %dma_wait3A_187 = arith.constant 0 : i32
          %dma_wait3A_188 = arith.constant 0 : i32
          %dma_wait3A_189 = arith.constant 0 : i32
          %dma_wait3A_190 = arith.constant 0 : i32
          %dma_wait3A_191 = tpu.memref_slice %arg4[%dma_wait3A_175, %dma_wait3A_187, %dma_wait3A_188, %dma_wait3A_189, %dma_wait3A_190] : memref<50x4x128x8x128xf32, #tpu.memory_space<hbm>> -> memref<1x4x4x8x128xf32, #tpu.memory_space<hbm>>
          %dma_wait3A_192 = tpu.memref_squeeze %dma_wait3A_191 : memref<1x4x4x8x128xf32, #tpu.memory_space<hbm>> -> memref<4x4x8x128xf32, #tpu.memory_space<hbm>>
          %dma_wait3A_193 = arith.constant 0 : i32
          %dma_wait3A_194 = arith.constant 0 : i32
          %dma_wait3A_195 = arith.constant 0 : i32
          %dma_wait3A_196 = arith.constant 0 : i32
          %dma_wait3A_197 = tpu.memref_slice %arg8[%dma_wait3A_193, %dma_wait3A_194, %dma_wait3A_195, %dma_wait3A_196] : memref<4x4x10x129xf32, #tpu.memory_space<vmem>> -> memref<4x4x8x128xf32, #tpu.memory_space<vmem>>
          tpu.wait_dma2 semaphore(%arg12 : memref<!tpu.dma_semaphore, #tpu.memory_space<semaphore_mem>>) src(%dma_wait3A_197 : memref<4x4x8x128xf32, #tpu.memory_space<vmem>>) dst(%dma_wait3A_192 : memref<4x4x8x128xf32, #tpu.memory_space<hbm>>)
        } else {
        }
        %jit3A = arith.constant 8 : i32
        %div3A = vector.broadcast %jit3A : i32 to vector<16xi32>
        %div3A_89 = arith.divsi %iota3A, %div3A : vector<16xi32>
        %sign3A = arith.constant 0 : i32
        %sign3A_90 = vector.broadcast %sign3A : i32 to vector<16xi32>
        %sign3A_91 = arith.cmpi sgt, %iota3A, %sign3A_90 : vector<16xi32>
        %sign3A_92 = arith.extui %sign3A_91 : vector<16xi1> to vector<16xi32>
        %sign3A_93 = arith.constant 0 : i32
        %sign3A_94 = vector.broadcast %sign3A_93 : i32 to vector<16xi32>
        %sign3A_95 = arith.cmpi slt, %iota3A, %sign3A_94 : vector<16xi32>
        %sign3A_96 = arith.extui %sign3A_95 : vector<16xi1> to vector<16xi32>
        %sign3A_97 = arith.subi %sign3A_92, %sign3A_96 : vector<16xi32>
        %sign3A_98 = arith.constant 0 : i32
        %sign3A_99 = arith.cmpi sgt, %jit3A, %sign3A_98 : i32
        %sign3A_100 = arith.extui %sign3A_99 : i1 to i32
        %sign3A_101 = arith.constant 0 : i32
        %sign3A_102 = arith.cmpi slt, %jit3A, %sign3A_101 : i32
        %sign3A_103 = arith.extui %sign3A_102 : i1 to i32
        %sign3A_104 = arith.subi %sign3A_100, %sign3A_103 : i32
        %ne3A = vector.broadcast %sign3A_104 : i32 to vector<16xi32>
        %ne3A_105 = arith.cmpi ne, %sign3A_97, %ne3A : vector<16xi32>
        %rem3A_106 = vector.broadcast %jit3A : i32 to vector<16xi32>
        %rem3A_107 = arith.remsi %iota3A, %rem3A_106 : vector<16xi32>
        %ne3A_108 = arith.constant 0 : i32
        %ne3A_109 = vector.broadcast %ne3A_108 : i32 to vector<16xi32>
        %ne3A_110 = arith.cmpi ne, %rem3A_107, %ne3A_109 : vector<16xi32>
        %and3A = arith.andi %ne3A_105, %ne3A_110 : vector<16xi1>
        %sub3A = arith.constant 1 : i32
        %sub3A_111 = vector.broadcast %sub3A : i32 to vector<16xi32>
        %sub3A_112 = arith.subi %div3A_89, %sub3A_111 : vector<16xi32>
        %select_n3A = arith.select %and3A, %sub3A_112, %div3A_89 : vector<16xi1>, vector<16xi32>
        %jit3A_113 = arith.constant 8 : i32
        %div3A_114 = vector.broadcast %jit3A_113 : i32 to vector<16xi32>
        %div3A_115 = arith.divsi %iota3A, %div3A_114 : vector<16xi32>
        %sign3A_116 = arith.constant 0 : i32
        %sign3A_117 = vector.broadcast %sign3A_116 : i32 to vector<16xi32>
        %sign3A_118 = arith.cmpi sgt, %iota3A, %sign3A_117 : vector<16xi32>
        %sign3A_119 = arith.extui %sign3A_118 : vector<16xi1> to vector<16xi32>
        %sign3A_120 = arith.constant 0 : i32
        %sign3A_121 = vector.broadcast %sign3A_120 : i32 to vector<16xi32>
        %sign3A_122 = arith.cmpi slt, %iota3A, %sign3A_121 : vector<16xi32>
        %sign3A_123 = arith.extui %sign3A_122 : vector<16xi1> to vector<16xi32>
        %sign3A_124 = arith.subi %sign3A_119, %sign3A_123 : vector<16xi32>
        %sign3A_125 = arith.constant 0 : i32
        %sign3A_126 = arith.cmpi sgt, %jit3A_113, %sign3A_125 : i32
        %sign3A_127 = arith.extui %sign3A_126 : i1 to i32
        %sign3A_128 = arith.constant 0 : i32
        %sign3A_129 = arith.cmpi slt, %jit3A_113, %sign3A_128 : i32
        %sign3A_130 = arith.extui %sign3A_129 : i1 to i32
        %sign3A_131 = arith.subi %sign3A_127, %sign3A_130 : i32
        %ne3A_132 = vector.broadcast %sign3A_131 : i32 to vector<16xi32>
        %ne3A_133 = arith.cmpi ne, %sign3A_124, %ne3A_132 : vector<16xi32>
        %rem3A_134 = vector.broadcast %jit3A_113 : i32 to vector<16xi32>
        %rem3A_135 = arith.remsi %iota3A, %rem3A_134 : vector<16xi32>
        %ne3A_136 = arith.constant 0 : i32
        %ne3A_137 = vector.broadcast %ne3A_136 : i32 to vector<16xi32>
        %ne3A_138 = arith.cmpi ne, %rem3A_135, %ne3A_137 : vector<16xi32>
        %and3A_139 = arith.andi %ne3A_133, %ne3A_138 : vector<16xi1>
        %sub3A_140 = arith.constant 1 : i32
        %sub3A_141 = vector.broadcast %sub3A_140 : i32 to vector<16xi32>
        %sub3A_142 = arith.subi %div3A_115, %sub3A_141 : vector<16xi32>
        %select_n3A_143 = arith.select %and3A_139, %sub3A_142, %div3A_115 : vector<16xi1>, vector<16xi32>
        %add3A_144 = arith.constant 2 : i32
        %add3A_145 = vector.broadcast %add3A_144 : i32 to vector<16xi32>
        %add3A_146 = arith.addi %add3A_145, %select_n3A_143 : vector<16xi32>
        %rem3A_147 = arith.constant 8 : i32
        %rem3A_148 = vector.broadcast %rem3A_147 : i32 to vector<16xi32>
        %rem3A_149 = arith.remsi %iota3A, %rem3A_148 : vector<16xi32>
        %scan3A_150 = arith.constant 0 : i32
        %scan3A_151 = arith.constant 512 : i32
        %scan3A_152 = arith.addi %scan3A_150, %scan3A_151 : i32
        %scan3A_153 = arith.constant 8 : i32
        scf.for %scan3A_175 = %scan3A_150 to %scan3A_152 step %scan3A_153  : i32 {
          %mul3A_176 = arith.constant 1 : i32
          %mul3A_177 = arith.muli %scan3A_175, %mul3A_176 : i32
          %add3A_178 = arith.constant 0 : i32
          %add3A_179 = arith.addi %add3A_178, %mul3A_177 : i32
          %broadcast_in_dim3A = arith.constant 0 : i32
          %broadcast_in_dim3A_180 = vector.broadcast %broadcast_in_dim3A : i32 to vector<16xi32>
          %jit3A_181 = arith.constant 128 : i32
          %div3A_182 = arith.divsi %add3A_179, %jit3A_181 : i32
          %sign3A_183 = arith.constant 0 : i32
          %sign3A_184 = arith.cmpi sgt, %add3A_179, %sign3A_183 : i32
          %sign3A_185 = arith.extui %sign3A_184 : i1 to i32
          %sign3A_186 = arith.constant 0 : i32
          %sign3A_187 = arith.cmpi slt, %add3A_179, %sign3A_186 : i32
          %sign3A_188 = arith.extui %sign3A_187 : i1 to i32
          %sign3A_189 = arith.subi %sign3A_185, %sign3A_188 : i32
          %sign3A_190 = arith.constant 0 : i32
          %sign3A_191 = arith.cmpi sgt, %jit3A_181, %sign3A_190 : i32
          %sign3A_192 = arith.extui %sign3A_191 : i1 to i32
          %sign3A_193 = arith.constant 0 : i32
          %sign3A_194 = arith.cmpi slt, %jit3A_181, %sign3A_193 : i32
          %sign3A_195 = arith.extui %sign3A_194 : i1 to i32
          %sign3A_196 = arith.subi %sign3A_192, %sign3A_195 : i32
          %ne3A_197 = arith.cmpi ne, %sign3A_189, %sign3A_196 : i32
          %rem3A_198 = arith.remsi %add3A_179, %jit3A_181 : i32
          %ne3A_199 = arith.constant 0 : i32
          %ne3A_200 = arith.cmpi ne, %rem3A_198, %ne3A_199 : i32
          %and3A_201 = arith.andi %ne3A_197, %ne3A_200 : i1
          %sub3A_202 = arith.constant 1 : i32
          %sub3A_203 = arith.subi %div3A_182, %sub3A_202 : i32
          %select_n3A_204 = arith.select %and3A_201, %sub3A_203, %div3A_182 : i32
          %add3A_205 = vector.broadcast %select_n3A_204 : i32 to vector<16xi32>
          %add3A_206 = arith.addi %broadcast_in_dim3A_180, %add3A_205 : vector<16xi32>
          %broadcast_in_dim3A_207 = arith.constant 0 : i32
          %broadcast_in_dim3A_208 = vector.broadcast %broadcast_in_dim3A_207 : i32 to vector<16xi32>
          %rem3A_209 = arith.constant 128 : i32
          %rem3A_210 = arith.remsi %add3A_179, %rem3A_209 : i32
          %add3A_211 = vector.broadcast %rem3A_210 : i32 to vector<16xi32>
          %add3A_212 = arith.addi %broadcast_in_dim3A_208, %add3A_211 : vector<16xi32>
          %get3A = arith.index_cast %add3A_179 : i32 to index
          %get3A_213 = arith.constant 0 : index
          %get3A_214 = tpu.vector_load %arg6[%get3A, %get3A_213] {strides = array<i32>} : memref<512x32xf32, #tpu.memory_space<vmem>>, vector<16xf32>,
          tpu.vector_store_idx %arg8[%select_n3A, %add3A_206, %rem3A_149, %add3A_212], %get3A_214 : memref<4x4x10x129xf32, #tpu.memory_space<vmem>>[vector<16xi32>, vector<16xi32>, vector<16xi32>, vector<16xi32>], vector<16xf32>,
          %get3A_215 = arith.index_cast %add3A_179 : i32 to index
          %get3A_216 = arith.constant 16 : index
          %get3A_217 = tpu.vector_load %arg6[%get3A_215, %get3A_216] {strides = array<i32>} : memref<512x32xf32, #tpu.memory_space<vmem>>, vector<16xf32>,
          tpu.vector_store_idx %arg8[%add3A_146, %add3A_206, %rem3A_149, %add3A_212], %get3A_217 : memref<4x4x10x129xf32, #tpu.memory_space<vmem>>[vector<16xi32>, vector<16xi32>, vector<16xi32>, vector<16xi32>], vector<16xf32>,
          %scan3A_218 = arith.constant 1 : i32
          %scan3A_219 = arith.addi %scan3A_175, %scan3A_218 : i32
          %mul3A_220 = arith.constant 1 : i32
          %mul3A_221 = arith.muli %scan3A_219, %mul3A_220 : i32
          %add3A_222 = arith.constant 0 : i32
          %add3A_223 = arith.addi %add3A_222, %mul3A_221 : i32
          %broadcast_in_dim3A_224 = arith.constant 0 : i32
          %broadcast_in_dim3A_225 = vector.broadcast %broadcast_in_dim3A_224 : i32 to vector<16xi32>
          %jit3A_226 = arith.constant 128 : i32
          %div3A_227 = arith.divsi %add3A_223, %jit3A_226 : i32
          %sign3A_228 = arith.constant 0 : i32
          %sign3A_229 = arith.cmpi sgt, %add3A_223, %sign3A_228 : i32
          %sign3A_230 = arith.extui %sign3A_229 : i1 to i32
          %sign3A_231 = arith.constant 0 : i32
          %sign3A_232 = arith.cmpi slt, %add3A_223, %sign3A_231 : i32
          %sign3A_233 = arith.extui %sign3A_232 : i1 to i32
          %sign3A_234 = arith.subi %sign3A_230, %sign3A_233 : i32
          %sign3A_235 = arith.constant 0 : i32
          %sign3A_236 = arith.cmpi sgt, %jit3A_226, %sign3A_235 : i32
          %sign3A_237 = arith.extui %sign3A_236 : i1 to i32
          %sign3A_238 = arith.constant 0 : i32
          %sign3A_239 = arith.cmpi slt, %jit3A_226, %sign3A_238 : i32
          %sign3A_240 = arith.extui %sign3A_239 : i1 to i32
          %sign3A_241 = arith.subi %sign3A_237, %sign3A_240 : i32
          %ne3A_242 = arith.cmpi ne, %sign3A_234, %sign3A_241 : i32
          %rem3A_243 = arith.remsi %add3A_223, %jit3A_226 : i32
          %ne3A_244 = arith.constant 0 : i32
          %ne3A_245 = arith.cmpi ne, %rem3A_243, %ne3A_244 : i32
          %and3A_246 = arith.andi %ne3A_242, %ne3A_245 : i1
          %sub3A_247 = arith.constant 1 : i32
          %sub3A_248 = arith.subi %div3A_227, %sub3A_247 : i32
          %select_n3A_249 = arith.select %and3A_246, %sub3A_248, %div3A_227 : i32
          %add3A_250 = vector.broadcast %select_n3A_249 : i32 to vector<16xi32>
          %add3A_251 = arith.addi %broadcast_in_dim3A_225, %add3A_250 : vector<16xi32>
          %broadcast_in_dim3A_252 = arith.constant 0 : i32
          %broadcast_in_dim3A_253 = vector.broadcast %broadcast_in_dim3A_252 : i32 to vector<16xi32>
          %rem3A_254 = arith.constant 128 : i32
          %rem3A_255 = arith.remsi %add3A_223, %rem3A_254 : i32
          %add3A_256 = vector.broadcast %rem3A_255 : i32 to vector<16xi32>
          %add3A_257 = arith.addi %broadcast_in_dim3A_253, %add3A_256 : vector<16xi32>
          %get3A_258 = arith.index_cast %add3A_223 : i32 to index
          %get3A_259 = arith.constant 0 : index
          %get3A_260 = tpu.vector_load %arg6[%get3A_258, %get3A_259] {strides = array<i32>} : memref<512x32xf32, #tpu.memory_space<vmem>>, vector<16xf32>,
          tpu.vector_store_idx %arg8[%select_n3A, %add3A_251, %rem3A_149, %add3A_257], %get3A_260 : memref<4x4x10x129xf32, #tpu.memory_space<vmem>>[vector<16xi32>, vector<16xi32>, vector<16xi32>, vector<16xi32>], vector<16xf32>,
          %get3A_261 = arith.index_cast %add3A_223 : i32 to index
          %get3A_262 = arith.constant 16 : index
          %get3A_263 = tpu.vector_load %arg6[%get3A_261, %get3A_262] {strides = array<i32>} : memref<512x32xf32, #tpu.memory_space<vmem>>, vector<16xf32>,
          tpu.vector_store_idx %arg8[%add3A_146, %add3A_251, %rem3A_149, %add3A_257], %get3A_263 : memref<4x4x10x129xf32, #tpu.memory_space<vmem>>[vector<16xi32>, vector<16xi32>, vector<16xi32>, vector<16xi32>], vector<16xf32>,
          %scan3A_264 = arith.constant 2 : i32
          %scan3A_265 = arith.addi %scan3A_175, %scan3A_264 : i32
          %mul3A_266 = arith.constant 1 : i32
          %mul3A_267 = arith.muli %scan3A_265, %mul3A_266 : i32
          %add3A_268 = arith.constant 0 : i32
          %add3A_269 = arith.addi %add3A_268, %mul3A_267 : i32
          %broadcast_in_dim3A_270 = arith.constant 0 : i32
          %broadcast_in_dim3A_271 = vector.broadcast %broadcast_in_dim3A_270 : i32 to vector<16xi32>
          %jit3A_272 = arith.constant 128 : i32
          %div3A_273 = arith.divsi %add3A_269, %jit3A_272 : i32
          %sign3A_274 = arith.constant 0 : i32
          %sign3A_275 = arith.cmpi sgt, %add3A_269, %sign3A_274 : i32
          %sign3A_276 = arith.extui %sign3A_275 : i1 to i32
          %sign3A_277 = arith.constant 0 : i32
          %sign3A_278 = arith.cmpi slt, %add3A_269, %sign3A_277 : i32
          %sign3A_279 = arith.extui %sign3A_278 : i1 to i32
          %sign3A_280 = arith.subi %sign3A_276, %sign3A_279 : i32
          %sign3A_281 = arith.constant 0 : i32
          %sign3A_282 = arith.cmpi sgt, %jit3A_272, %sign3A_281 : i32
          %sign3A_283 = arith.extui %sign3A_282 : i1 to i32
          %sign3A_284 = arith.constant 0 : i32
          %sign3A_285 = arith.cmpi slt, %jit3A_272, %sign3A_284 : i32
          %sign3A_286 = arith.extui %sign3A_285 : i1 to i32
          %sign3A_287 = arith.subi %sign3A_283, %sign3A_286 : i32
          %ne3A_288 = arith.cmpi ne, %sign3A_280, %sign3A_287 : i32
          %rem3A_289 = arith.remsi %add3A_269, %jit3A_272 : i32
          %ne3A_290 = arith.constant 0 : i32
          %ne3A_291 = arith.cmpi ne, %rem3A_289, %ne3A_290 : i32
          %and3A_292 = arith.andi %ne3A_288, %ne3A_291 : i1
          %sub3A_293 = arith.constant 1 : i32
          %sub3A_294 = arith.subi %div3A_273, %sub3A_293 : i32
          %select_n3A_295 = arith.select %and3A_292, %sub3A_294, %div3A_273 : i32
          %add3A_296 = vector.broadcast %select_n3A_295 : i32 to vector<16xi32>
          %add3A_297 = arith.addi %broadcast_in_dim3A_271, %add3A_296 : vector<16xi32>
          %broadcast_in_dim3A_298 = arith.constant 0 : i32
          %broadcast_in_dim3A_299 = vector.broadcast %broadcast_in_dim3A_298 : i32 to vector<16xi32>
          %rem3A_300 = arith.constant 128 : i32
          %rem3A_301 = arith.remsi %add3A_269, %rem3A_300 : i32
          %add3A_302 = vector.broadcast %rem3A_301 : i32 to vector<16xi32>
          %add3A_303 = arith.addi %broadcast_in_dim3A_299, %add3A_302 : vector<16xi32>
          %get3A_304 = arith.index_cast %add3A_269 : i32 to index
          %get3A_305 = arith.constant 0 : index
          %get3A_306 = tpu.vector_load %arg6[%get3A_304, %get3A_305] {strides = array<i32>} : memref<512x32xf32, #tpu.memory_space<vmem>>, vector<16xf32>,
          tpu.vector_store_idx %arg8[%select_n3A, %add3A_297, %rem3A_149, %add3A_303], %get3A_306 : memref<4x4x10x129xf32, #tpu.memory_space<vmem>>[vector<16xi32>, vector<16xi32>, vector<16xi32>, vector<16xi32>], vector<16xf32>,
          %get3A_307 = arith.index_cast %add3A_269 : i32 to index
          %get3A_308 = arith.constant 16 : index
          %get3A_309 = tpu.vector_load %arg6[%get3A_307, %get3A_308] {strides = array<i32>} : memref<512x32xf32, #tpu.memory_space<vmem>>, vector<16xf32>,
          tpu.vector_store_idx %arg8[%add3A_146, %add3A_297, %rem3A_149, %add3A_303], %get3A_309 : memref<4x4x10x129xf32, #tpu.memory_space<vmem>>[vector<16xi32>, vector<16xi32>, vector<16xi32>, vector<16xi32>], vector<16xf32>,
          %scan3A_310 = arith.constant 3 : i32
          %scan3A_311 = arith.addi %scan3A_175, %scan3A_310 : i32
          %mul3A_312 = arith.constant 1 : i32
          %mul3A_313 = arith.muli %scan3A_311, %mul3A_312 : i32
          %add3A_314 = arith.constant 0 : i32
          %add3A_315 = arith.addi %add3A_314, %mul3A_313 : i32
          %broadcast_in_dim3A_316 = arith.constant 0 : i32
          %broadcast_in_dim3A_317 = vector.broadcast %broadcast_in_dim3A_316 : i32 to vector<16xi32>
          %jit3A_318 = arith.constant 128 : i32
          %div3A_319 = arith.divsi %add3A_315, %jit3A_318 : i32
          %sign3A_320 = arith.constant 0 : i32
          %sign3A_321 = arith.cmpi sgt, %add3A_315, %sign3A_320 : i32
          %sign3A_322 = arith.extui %sign3A_321 : i1 to i32
          %sign3A_323 = arith.constant 0 : i32
          %sign3A_324 = arith.cmpi slt, %add3A_315, %sign3A_323 : i32
          %sign3A_325 = arith.extui %sign3A_324 : i1 to i32
          %sign3A_326 = arith.subi %sign3A_322, %sign3A_325 : i32
          %sign3A_327 = arith.constant 0 : i32
          %sign3A_328 = arith.cmpi sgt, %jit3A_318, %sign3A_327 : i32
          %sign3A_329 = arith.extui %sign3A_328 : i1 to i32
          %sign3A_330 = arith.constant 0 : i32
          %sign3A_331 = arith.cmpi slt, %jit3A_318, %sign3A_330 : i32
          %sign3A_332 = arith.extui %sign3A_331 : i1 to i32
          %sign3A_333 = arith.subi %sign3A_329, %sign3A_332 : i32
          %ne3A_334 = arith.cmpi ne, %sign3A_326, %sign3A_333 : i32
          %rem3A_335 = arith.remsi %add3A_315, %jit3A_318 : i32
          %ne3A_336 = arith.constant 0 : i32
          %ne3A_337 = arith.cmpi ne, %rem3A_335, %ne3A_336 : i32
          %and3A_338 = arith.andi %ne3A_334, %ne3A_337 : i1
          %sub3A_339 = arith.constant 1 : i32
          %sub3A_340 = arith.subi %div3A_319, %sub3A_339 : i32
          %select_n3A_341 = arith.select %and3A_338, %sub3A_340, %div3A_319 : i32
          %add3A_342 = vector.broadcast %select_n3A_341 : i32 to vector<16xi32>
          %add3A_343 = arith.addi %broadcast_in_dim3A_317, %add3A_342 : vector<16xi32>
          %broadcast_in_dim3A_344 = arith.constant 0 : i32
          %broadcast_in_dim3A_345 = vector.broadcast %broadcast_in_dim3A_344 : i32 to vector<16xi32>
          %rem3A_346 = arith.constant 128 : i32
          %rem3A_347 = arith.remsi %add3A_315, %rem3A_346 : i32
          %add3A_348 = vector.broadcast %rem3A_347 : i32 to vector<16xi32>
          %add3A_349 = arith.addi %broadcast_in_dim3A_345, %add3A_348 : vector<16xi32>
          %get3A_350 = arith.index_cast %add3A_315 : i32 to index
          %get3A_351 = arith.constant 0 : index
          %get3A_352 = tpu.vector_load %arg6[%get3A_350, %get3A_351] {strides = array<i32>} : memref<512x32xf32, #tpu.memory_space<vmem>>, vector<16xf32>,
          tpu.vector_store_idx %arg8[%select_n3A, %add3A_343, %rem3A_149, %add3A_349], %get3A_352 : memref<4x4x10x129xf32, #tpu.memory_space<vmem>>[vector<16xi32>, vector<16xi32>, vector<16xi32>, vector<16xi32>], vector<16xf32>,
          %get3A_353 = arith.index_cast %add3A_315 : i32 to index
          %get3A_354 = arith.constant 16 : index
          %get3A_355 = tpu.vector_load %arg6[%get3A_353, %get3A_354] {strides = array<i32>} : memref<512x32xf32, #tpu.memory_space<vmem>>, vector<16xf32>,
          tpu.vector_store_idx %arg8[%add3A_146, %add3A_343, %rem3A_149, %add3A_349], %get3A_355 : memref<4x4x10x129xf32, #tpu.memory_space<vmem>>[vector<16xi32>, vector<16xi32>, vector<16xi32>, vector<16xi32>], vector<16xf32>,
          %scan3A_356 = arith.constant 4 : i32
          %scan3A_357 = arith.addi %scan3A_175, %scan3A_356 : i32
          %mul3A_358 = arith.constant 1 : i32
          %mul3A_359 = arith.muli %scan3A_357, %mul3A_358 : i32
          %add3A_360 = arith.constant 0 : i32
          %add3A_361 = arith.addi %add3A_360, %mul3A_359 : i32
          %broadcast_in_dim3A_362 = arith.constant 0 : i32
          %broadcast_in_dim3A_363 = vector.broadcast %broadcast_in_dim3A_362 : i32 to vector<16xi32>
          %jit3A_364 = arith.constant 128 : i32
          %div3A_365 = arith.divsi %add3A_361, %jit3A_364 : i32
          %sign3A_366 = arith.constant 0 : i32
          %sign3A_367 = arith.cmpi sgt, %add3A_361, %sign3A_366 : i32
          %sign3A_368 = arith.extui %sign3A_367 : i1 to i32
          %sign3A_369 = arith.constant 0 : i32
          %sign3A_370 = arith.cmpi slt, %add3A_361, %sign3A_369 : i32
          %sign3A_371 = arith.extui %sign3A_370 : i1 to i32
          %sign3A_372 = arith.subi %sign3A_368, %sign3A_371 : i32
          %sign3A_373 = arith.constant 0 : i32
          %sign3A_374 = arith.cmpi sgt, %jit3A_364, %sign3A_373 : i32
          %sign3A_375 = arith.extui %sign3A_374 : i1 to i32
          %sign3A_376 = arith.constant 0 : i32
          %sign3A_377 = arith.cmpi slt, %jit3A_364, %sign3A_376 : i32
          %sign3A_378 = arith.extui %sign3A_377 : i1 to i32
          %sign3A_379 = arith.subi %sign3A_375, %sign3A_378 : i32
          %ne3A_380 = arith.cmpi ne, %sign3A_372, %sign3A_379 : i32
          %rem3A_381 = arith.remsi %add3A_361, %jit3A_364 : i32
          %ne3A_382 = arith.constant 0 : i32
          %ne3A_383 = arith.cmpi ne, %rem3A_381, %ne3A_382 : i32
          %and3A_384 = arith.andi %ne3A_380, %ne3A_383 : i1
          %sub3A_385 = arith.constant 1 : i32
          %sub3A_386 = arith.subi %div3A_365, %sub3A_385 : i32
          %select_n3A_387 = arith.select %and3A_384, %sub3A_386, %div3A_365 : i32
          %add3A_388 = vector.broadcast %select_n3A_387 : i32 to vector<16xi32>
          %add3A_389 = arith.addi %broadcast_in_dim3A_363, %add3A_388 : vector<16xi32>
          %broadcast_in_dim3A_390 = arith.constant 0 : i32
          %broadcast_in_dim3A_391 = vector.broadcast %broadcast_in_dim3A_390 : i32 to vector<16xi32>
          %rem3A_392 = arith.constant 128 : i32
          %rem3A_393 = arith.remsi %add3A_361, %rem3A_392 : i32
          %add3A_394 = vector.broadcast %rem3A_393 : i32 to vector<16xi32>
          %add3A_395 = arith.addi %broadcast_in_dim3A_391, %add3A_394 : vector<16xi32>
          %get3A_396 = arith.index_cast %add3A_361 : i32 to index
          %get3A_397 = arith.constant 0 : index
          %get3A_398 = tpu.vector_load %arg6[%get3A_396, %get3A_397] {strides = array<i32>} : memref<512x32xf32, #tpu.memory_space<vmem>>, vector<16xf32>,
          tpu.vector_store_idx %arg8[%select_n3A, %add3A_389, %rem3A_149, %add3A_395], %get3A_398 : memref<4x4x10x129xf32, #tpu.memory_space<vmem>>[vector<16xi32>, vector<16xi32>, vector<16xi32>, vector<16xi32>], vector<16xf32>,
          %get3A_399 = arith.index_cast %add3A_361 : i32 to index
          %get3A_400 = arith.constant 16 : index
          %get3A_401 = tpu.vector_load %arg6[%get3A_399, %get3A_400] {strides = array<i32>} : memref<512x32xf32, #tpu.memory_space<vmem>>, vector<16xf32>,
          tpu.vector_store_idx %arg8[%add3A_146, %add3A_389, %rem3A_149, %add3A_395], %get3A_401 : memref<4x4x10x129xf32, #tpu.memory_space<vmem>>[vector<16xi32>, vector<16xi32>, vector<16xi32>, vector<16xi32>], vector<16xf32>,
          %scan3A_402 = arith.constant 5 : i32
          %scan3A_403 = arith.addi %scan3A_175, %scan3A_402 : i32
          %mul3A_404 = arith.constant 1 : i32
          %mul3A_405 = arith.muli %scan3A_403, %mul3A_404 : i32
          %add3A_406 = arith.constant 0 : i32
          %add3A_407 = arith.addi %add3A_406, %mul3A_405 : i32
          %broadcast_in_dim3A_408 = arith.constant 0 : i32
          %broadcast_in_dim3A_409 = vector.broadcast %broadcast_in_dim3A_408 : i32 to vector<16xi32>
          %jit3A_410 = arith.constant 128 : i32
          %div3A_411 = arith.divsi %add3A_407, %jit3A_410 : i32
          %sign3A_412 = arith.constant 0 : i32
          %sign3A_413 = arith.cmpi sgt, %add3A_407, %sign3A_412 : i32
          %sign3A_414 = arith.extui %sign3A_413 : i1 to i32
          %sign3A_415 = arith.constant 0 : i32
          %sign3A_416 = arith.cmpi slt, %add3A_407, %sign3A_415 : i32
          %sign3A_417 = arith.extui %sign3A_416 : i1 to i32
          %sign3A_418 = arith.subi %sign3A_414, %sign3A_417 : i32
          %sign3A_419 = arith.constant 0 : i32
          %sign3A_420 = arith.cmpi sgt, %jit3A_410, %sign3A_419 : i32
          %sign3A_421 = arith.extui %sign3A_420 : i1 to i32
          %sign3A_422 = arith.constant 0 : i32
          %sign3A_423 = arith.cmpi slt, %jit3A_410, %sign3A_422 : i32
          %sign3A_424 = arith.extui %sign3A_423 : i1 to i32
          %sign3A_425 = arith.subi %sign3A_421, %sign3A_424 : i32
          %ne3A_426 = arith.cmpi ne, %sign3A_418, %sign3A_425 : i32
          %rem3A_427 = arith.remsi %add3A_407, %jit3A_410 : i32
          %ne3A_428 = arith.constant 0 : i32
          %ne3A_429 = arith.cmpi ne, %rem3A_427, %ne3A_428 : i32
          %and3A_430 = arith.andi %ne3A_426, %ne3A_429 : i1
          %sub3A_431 = arith.constant 1 : i32
          %sub3A_432 = arith.subi %div3A_411, %sub3A_431 : i32
          %select_n3A_433 = arith.select %and3A_430, %sub3A_432, %div3A_411 : i32
          %add3A_434 = vector.broadcast %select_n3A_433 : i32 to vector<16xi32>
          %add3A_435 = arith.addi %broadcast_in_dim3A_409, %add3A_434 : vector<16xi32>
          %broadcast_in_dim3A_436 = arith.constant 0 : i32
          %broadcast_in_dim3A_437 = vector.broadcast %broadcast_in_dim3A_436 : i32 to vector<16xi32>
          %rem3A_438 = arith.constant 128 : i32
          %rem3A_439 = arith.remsi %add3A_407, %rem3A_438 : i32
          %add3A_440 = vector.broadcast %rem3A_439 : i32 to vector<16xi32>
          %add3A_441 = arith.addi %broadcast_in_dim3A_437, %add3A_440 : vector<16xi32>
          %get3A_442 = arith.index_cast %add3A_407 : i32 to index
          %get3A_443 = arith.constant 0 : index
          %get3A_444 = tpu.vector_load %arg6[%get3A_442, %get3A_443] {strides = array<i32>} : memref<512x32xf32, #tpu.memory_space<vmem>>, vector<16xf32>,
          tpu.vector_store_idx %arg8[%select_n3A, %add3A_435, %rem3A_149, %add3A_441], %get3A_444 : memref<4x4x10x129xf32, #tpu.memory_space<vmem>>[vector<16xi32>, vector<16xi32>, vector<16xi32>, vector<16xi32>], vector<16xf32>,
          %get3A_445 = arith.index_cast %add3A_407 : i32 to index
          %get3A_446 = arith.constant 16 : index
          %get3A_447 = tpu.vector_load %arg6[%get3A_445, %get3A_446] {strides = array<i32>} : memref<512x32xf32, #tpu.memory_space<vmem>>, vector<16xf32>,
          tpu.vector_store_idx %arg8[%add3A_146, %add3A_435, %rem3A_149, %add3A_441], %get3A_447 : memref<4x4x10x129xf32, #tpu.memory_space<vmem>>[vector<16xi32>, vector<16xi32>, vector<16xi32>, vector<16xi32>], vector<16xf32>,
          %scan3A_448 = arith.constant 6 : i32
          %scan3A_449 = arith.addi %scan3A_175, %scan3A_448 : i32
          %mul3A_450 = arith.constant 1 : i32
          %mul3A_451 = arith.muli %scan3A_449, %mul3A_450 : i32
          %add3A_452 = arith.constant 0 : i32
          %add3A_453 = arith.addi %add3A_452, %mul3A_451 : i32
          %broadcast_in_dim3A_454 = arith.constant 0 : i32
          %broadcast_in_dim3A_455 = vector.broadcast %broadcast_in_dim3A_454 : i32 to vector<16xi32>
          %jit3A_456 = arith.constant 128 : i32
          %div3A_457 = arith.divsi %add3A_453, %jit3A_456 : i32
          %sign3A_458 = arith.constant 0 : i32
          %sign3A_459 = arith.cmpi sgt, %add3A_453, %sign3A_458 : i32
          %sign3A_460 = arith.extui %sign3A_459 : i1 to i32
          %sign3A_461 = arith.constant 0 : i32
          %sign3A_462 = arith.cmpi slt, %add3A_453, %sign3A_461 : i32
          %sign3A_463 = arith.extui %sign3A_462 : i1 to i32
          %sign3A_464 = arith.subi %sign3A_460, %sign3A_463 : i32
          %sign3A_465 = arith.constant 0 : i32
          %sign3A_466 = arith.cmpi sgt, %jit3A_456, %sign3A_465 : i32
          %sign3A_467 = arith.extui %sign3A_466 : i1 to i32
          %sign3A_468 = arith.constant 0 : i32
          %sign3A_469 = arith.cmpi slt, %jit3A_456, %sign3A_468 : i32
          %sign3A_470 = arith.extui %sign3A_469 : i1 to i32
          %sign3A_471 = arith.subi %sign3A_467, %sign3A_470 : i32
          %ne3A_472 = arith.cmpi ne, %sign3A_464, %sign3A_471 : i32
          %rem3A_473 = arith.remsi %add3A_453, %jit3A_456 : i32
          %ne3A_474 = arith.constant 0 : i32
          %ne3A_475 = arith.cmpi ne, %rem3A_473, %ne3A_474 : i32
          %and3A_476 = arith.andi %ne3A_472, %ne3A_475 : i1
          %sub3A_477 = arith.constant 1 : i32
          %sub3A_478 = arith.subi %div3A_457, %sub3A_477 : i32
          %select_n3A_479 = arith.select %and3A_476, %sub3A_478, %div3A_457 : i32
          %add3A_480 = vector.broadcast %select_n3A_479 : i32 to vector<16xi32>
          %add3A_481 = arith.addi %broadcast_in_dim3A_455, %add3A_480 : vector<16xi32>
          %broadcast_in_dim3A_482 = arith.constant 0 : i32
          %broadcast_in_dim3A_483 = vector.broadcast %broadcast_in_dim3A_482 : i32 to vector<16xi32>
          %rem3A_484 = arith.constant 128 : i32
          %rem3A_485 = arith.remsi %add3A_453, %rem3A_484 : i32
          %add3A_486 = vector.broadcast %rem3A_485 : i32 to vector<16xi32>
          %add3A_487 = arith.addi %broadcast_in_dim3A_483, %add3A_486 : vector<16xi32>
          %get3A_488 = arith.index_cast %add3A_453 : i32 to index
          %get3A_489 = arith.constant 0 : index
          %get3A_490 = tpu.vector_load %arg6[%get3A_488, %get3A_489] {strides = array<i32>} : memref<512x32xf32, #tpu.memory_space<vmem>>, vector<16xf32>,
          tpu.vector_store_idx %arg8[%select_n3A, %add3A_481, %rem3A_149, %add3A_487], %get3A_490 : memref<4x4x10x129xf32, #tpu.memory_space<vmem>>[vector<16xi32>, vector<16xi32>, vector<16xi32>, vector<16xi32>], vector<16xf32>,
          %get3A_491 = arith.index_cast %add3A_453 : i32 to index
          %get3A_492 = arith.constant 16 : index
          %get3A_493 = tpu.vector_load %arg6[%get3A_491, %get3A_492] {strides = array<i32>} : memref<512x32xf32, #tpu.memory_space<vmem>>, vector<16xf32>,
          tpu.vector_store_idx %arg8[%add3A_146, %add3A_481, %rem3A_149, %add3A_487], %get3A_493 : memref<4x4x10x129xf32, #tpu.memory_space<vmem>>[vector<16xi32>, vector<16xi32>, vector<16xi32>, vector<16xi32>], vector<16xf32>,
          %scan3A_494 = arith.constant 7 : i32
          %scan3A_495 = arith.addi %scan3A_175, %scan3A_494 : i32
          %mul3A_496 = arith.constant 1 : i32
          %mul3A_497 = arith.muli %scan3A_495, %mul3A_496 : i32
          %add3A_498 = arith.constant 0 : i32
          %add3A_499 = arith.addi %add3A_498, %mul3A_497 : i32
          %broadcast_in_dim3A_500 = arith.constant 0 : i32
          %broadcast_in_dim3A_501 = vector.broadcast %broadcast_in_dim3A_500 : i32 to vector<16xi32>
          %jit3A_502 = arith.constant 128 : i32
          %div3A_503 = arith.divsi %add3A_499, %jit3A_502 : i32
          %sign3A_504 = arith.constant 0 : i32
          %sign3A_505 = arith.cmpi sgt, %add3A_499, %sign3A_504 : i32
          %sign3A_506 = arith.extui %sign3A_505 : i1 to i32
          %sign3A_507 = arith.constant 0 : i32
          %sign3A_508 = arith.cmpi slt, %add3A_499, %sign3A_507 : i32
          %sign3A_509 = arith.extui %sign3A_508 : i1 to i32
          %sign3A_510 = arith.subi %sign3A_506, %sign3A_509 : i32
          %sign3A_511 = arith.constant 0 : i32
          %sign3A_512 = arith.cmpi sgt, %jit3A_502, %sign3A_511 : i32
          %sign3A_513 = arith.extui %sign3A_512 : i1 to i32
          %sign3A_514 = arith.constant 0 : i32
          %sign3A_515 = arith.cmpi slt, %jit3A_502, %sign3A_514 : i32
          %sign3A_516 = arith.extui %sign3A_515 : i1 to i32
          %sign3A_517 = arith.subi %sign3A_513, %sign3A_516 : i32
          %ne3A_518 = arith.cmpi ne, %sign3A_510, %sign3A_517 : i32
          %rem3A_519 = arith.remsi %add3A_499, %jit3A_502 : i32
          %ne3A_520 = arith.constant 0 : i32
          %ne3A_521 = arith.cmpi ne, %rem3A_519, %ne3A_520 : i32
          %and3A_522 = arith.andi %ne3A_518, %ne3A_521 : i1
          %sub3A_523 = arith.constant 1 : i32
          %sub3A_524 = arith.subi %div3A_503, %sub3A_523 : i32
          %select_n3A_525 = arith.select %and3A_522, %sub3A_524, %div3A_503 : i32
          %add3A_526 = vector.broadcast %select_n3A_525 : i32 to vector<16xi32>
          %add3A_527 = arith.addi %broadcast_in_dim3A_501, %add3A_526 : vector<16xi32>
          %broadcast_in_dim3A_528 = arith.constant 0 : i32
          %broadcast_in_dim3A_529 = vector.broadcast %broadcast_in_dim3A_528 : i32 to vector<16xi32>
          %rem3A_530 = arith.constant 128 : i32
          %rem3A_531 = arith.remsi %add3A_499, %rem3A_530 : i32
          %add3A_532 = vector.broadcast %rem3A_531 : i32 to vector<16xi32>
          %add3A_533 = arith.addi %broadcast_in_dim3A_529, %add3A_532 : vector<16xi32>
          %get3A_534 = arith.index_cast %add3A_499 : i32 to index
          %get3A_535 = arith.constant 0 : index
          %get3A_536 = tpu.vector_load %arg6[%get3A_534, %get3A_535] {strides = array<i32>} : memref<512x32xf32, #tpu.memory_space<vmem>>, vector<16xf32>,
          tpu.vector_store_idx %arg8[%select_n3A, %add3A_527, %rem3A_149, %add3A_533], %get3A_536 : memref<4x4x10x129xf32, #tpu.memory_space<vmem>>[vector<16xi32>, vector<16xi32>, vector<16xi32>, vector<16xi32>], vector<16xf32>,
          %get3A_537 = arith.index_cast %add3A_499 : i32 to index
          %get3A_538 = arith.constant 16 : index
          %get3A_539 = tpu.vector_load %arg6[%get3A_537, %get3A_538] {strides = array<i32>} : memref<512x32xf32, #tpu.memory_space<vmem>>, vector<16xf32>,
          tpu.vector_store_idx %arg8[%add3A_146, %add3A_527, %rem3A_149, %add3A_533], %get3A_539 : memref<4x4x10x129xf32, #tpu.memory_space<vmem>>[vector<16xi32>, vector<16xi32>, vector<16xi32>, vector<16xi32>], vector<16xf32>,
        }
        %scan3A_154 = arith.constant 512 : i32
        %dma_start3A_155 = arith.constant 0 : i32
        %dma_start3A_156 = arith.constant 0 : i32
        %dma_start3A_157 = arith.constant 0 : i32
        %dma_start3A_158 = arith.constant 0 : i32
        %dma_start3A_159 = tpu.memref_slice %arg8[%dma_start3A_155, %dma_start3A_156, %dma_start3A_157, %dma_start3A_158] : memref<4x4x10x129xf32, #tpu.memory_space<vmem>> -> memref<4x4x8x128xf32, #tpu.memory_space<vmem>>
        %dma_start3A_160 = arith.constant 0 : i32
        %dma_start3A_161 = arith.constant 0 : i32
        %dma_start3A_162 = arith.constant 0 : i32
        %dma_start3A_163 = tpu.memref_slice %arg4[%add3A_64, %dma_start3A_160, %mul3A_4, %dma_start3A_161, %dma_start3A_162] : memref<50x4x128x8x128xf32, #tpu.memory_space<hbm>> -> memref<1x4x4x8x128xf32, #tpu.memory_space<hbm>>
        %dma_start3A_164 = tpu.memref_squeeze %dma_start3A_163 : memref<1x4x4x8x128xf32, #tpu.memory_space<hbm>> -> memref<4x4x8x128xf32, #tpu.memory_space<hbm>>
        %dma_start3A_165 = arith.constant 0 : i32
        %dma_start3A_166 = arith.constant 0 : i32
        %dma_start3A_167 = arith.constant 0 : i32
        %dma_start3A_168 = tpu.memref_slice %arg4[%add3A_64, %dma_start3A_165, %mul3A_4, %dma_start3A_166, %dma_start3A_167] : memref<50x4x128x8x128xf32, #tpu.memory_space<hbm>> -> memref<1x4x4x8x128xf32, #tpu.memory_space<hbm>>
        %dma_start3A_169 = tpu.memref_squeeze %dma_start3A_168 : memref<1x4x4x8x128xf32, #tpu.memory_space<hbm>> -> memref<4x4x8x128xf32, #tpu.memory_space<hbm>>
        %dma_start3A_170 = arith.constant 0 : i32
        %dma_start3A_171 = arith.constant 0 : i32
        %dma_start3A_172 = arith.constant 0 : i32
        %dma_start3A_173 = arith.constant 0 : i32
        %dma_start3A_174 = tpu.memref_slice %arg8[%dma_start3A_170, %dma_start3A_171, %dma_start3A_172, %dma_start3A_173] : memref<4x4x10x129xf32, #tpu.memory_space<vmem>> -> memref<4x4x8x128xf32, #tpu.memory_space<vmem>>
        tpu.enqueue_dma source(%dma_start3A_174 : memref<4x4x8x128xf32, #tpu.memory_space<vmem>>) target(%dma_start3A_169 : memref<4x4x8x128xf32, #tpu.memory_space<hbm>>) target_semaphore(%arg12 : memref<!tpu.dma_semaphore, #tpu.memory_space<semaphore_mem>>)
      } else {
      }
      %eq3A_68 = arith.constant 1 : i32
      %eq3A_69 = arith.cmpi eq, %rem3A_65, %eq3A_68 : i32
      %convert_element_type3A_70 = arith.extui %eq3A_69 : i1 to i32
      %cond3A_71 = arith.constant 0 : i32
      %cond3A_72 = arith.cmpi ne, %convert_element_type3A_70, %cond3A_71 : i32
      scf.if %cond3A_72 {
        %add3A_73 = arith.constant 1 : i32
        %add3A_74 = arith.addi %add3A_64, %add3A_73 : i32
        %lt3A = arith.constant 50 : i32
        %lt3A_75 = arith.cmpi slt, %add3A_74, %lt3A : i32
        %convert_element_type3A_76 = arith.extui %lt3A_75 : i1 to i32
        %cond3A_77 = arith.constant 0 : i32
        %cond3A_78 = arith.cmpi ne, %convert_element_type3A_76, %cond3A_77 : i32
        scf.if %cond3A_78 {
          %add3A_175 = arith.constant 1 : i32
          %add3A_176 = arith.addi %add3A_64, %add3A_175 : i32
          %dma_start3A_177 = arith.constant 0 : i32
          %dma_start3A_178 = tpu.memref_slice %arg5[%add3A_176, %dma_start3A_177] : memref<50x512xi32, #tpu.memory_space<vmem>> -> memref<1x512xi32, #tpu.memory_space<vmem>>
          %dma_start3A_179 = tpu.memref_squeeze %dma_start3A_178 : memref<1x512xi32, #tpu.memory_space<vmem>> -> memref<512xi32, #tpu.memory_space<vmem>>
          %dma_start3A_180 = arith.constant 0 : i32
          %dma_start3A_181 = arith.constant 0 : i32
          %dma_start3A_182 = tpu.memref_slice %arg2[%dma_start3A_180, %dma_start3A_181] : memref<1000000x32xf32, #tpu.memory_space<hbm>> -> memref<1000000x32xf32, #tpu.memory_space<hbm>>
          tpu.enqueue_indirect_dma source(%dma_start3A_182 : memref<1000000x32xf32, #tpu.memory_space<hbm>>) target(%arg6 : memref<512x32xf32, #tpu.memory_space<vmem>>) offsets(%dma_start3A_179 : memref<512xi32, #tpu.memory_space<vmem>>) semaphore(%arg10 : memref<!tpu.dma_semaphore, #tpu.memory_space<semaphore_mem>>)
        } else {
        }
        %dma_wait3A_79 = arith.constant 0 : i32
        %dma_wait3A_80 = tpu.memref_slice %arg5[%add3A_64, %dma_wait3A_79] : memref<50x512xi32, #tpu.memory_space<vmem>> -> memref<1x512xi32, #tpu.memory_space<vmem>>
        %dma_wait3A_81 = tpu.memref_squeeze %dma_wait3A_80 : memref<1x512xi32, #tpu.memory_space<vmem>> -> memref<512xi32, #tpu.memory_space<vmem>>
        %dma_wait3A_82 = arith.constant 0 : i32
        %dma_wait3A_83 = arith.constant 0 : i32
        %dma_wait3A_84 = tpu.memref_slice %arg2[%dma_wait3A_82, %dma_wait3A_83] : memref<1000000x32xf32, #tpu.memory_space<hbm>> -> memref<1000000x32xf32, #tpu.memory_space<hbm>>
        tpu.wait_indirect_dma semaphore(%arg11 : memref<!tpu.dma_semaphore, #tpu.memory_space<semaphore_mem>>) src(%dma_wait3A_84 : memref<1000000x32xf32, #tpu.memory_space<hbm>>) dst(%arg7 : memref<512x32xf32, #tpu.memory_space<vmem>>)
        %ge3A = arith.constant 2 : i32
        %ge3A_85 = arith.cmpi sge, %add3A_64, %ge3A : i32
        %convert_element_type3A_86 = arith.extui %ge3A_85 : i1 to i32
        %cond3A_87 = arith.constant 0 : i32
        %cond3A_88 = arith.cmpi ne, %convert_element_type3A_86, %cond3A_87 : i32
        scf.if %cond3A_88 {
          %dma_wait3A_175 = arith.constant 0 : i32
          %dma_wait3A_176 = arith.constant 0 : i32
          %dma_wait3A_177 = arith.constant 0 : i32
          %dma_wait3A_178 = arith.constant 0 : i32
          %dma_wait3A_179 = arith.constant 0 : i32
          %dma_wait3A_180 = tpu.memref_slice %arg9[%dma_wait3A_176, %dma_wait3A_177, %dma_wait3A_178, %dma_wait3A_179] : memref<4x4x10x129xf32, #tpu.memory_space<vmem>> -> memref<4x4x8x128xf32, #tpu.memory_space<vmem>>
          %dma_wait3A_181 = arith.constant 0 : i32
          %dma_wait3A_182 = arith.constant 0 : i32
          %dma_wait3A_183 = arith.constant 0 : i32
          %dma_wait3A_184 = arith.constant 0 : i32
          %dma_wait3A_185 = tpu.memref_slice %arg4[%dma_wait3A_175, %dma_wait3A_181, %dma_wait3A_182, %dma_wait3A_183, %dma_wait3A_184] : memref<50x4x128x8x128xf32, #tpu.memory_space<hbm>> -> memref<1x4x4x8x128xf32, #tpu.memory_space<hbm>>
          %dma_wait3A_186 = tpu.memref_squeeze %dma_wait3A_185 : memref<1x4x4x8x128xf32, #tpu.memory_space<hbm>> -> memref<4x4x8x128xf32, #tpu.memory_space<hbm>>
          %dma_wait3A_187 = arith.constant 0 : i32
          %dma_wait3A_188 = arith.constant 0 : i32
          %dma_wait3A_189 = arith.constant 0 : i32
          %dma_wait3A_190 = arith.constant 0 : i32
          %dma_wait3A_191 = tpu.memref_slice %arg4[%dma_wait3A_175, %dma_wait3A_187, %dma_wait3A_188, %dma_wait3A_189, %dma_wait3A_190] : memref<50x4x128x8x128xf32, #tpu.memory_space<hbm>> -> memref<1x4x4x8x128xf32, #tpu.memory_space<hbm>>
          %dma_wait3A_192 = tpu.memref_squeeze %dma_wait3A_191 : memref<1x4x4x8x128xf32, #tpu.memory_space<hbm>> -> memref<4x4x8x128xf32, #tpu.memory_space<hbm>>
          %dma_wait3A_193 = arith.constant 0 : i32
          %dma_wait3A_194 = arith.constant 0 : i32
          %dma_wait3A_195 = arith.constant 0 : i32
          %dma_wait3A_196 = arith.constant 0 : i32
          %dma_wait3A_197 = tpu.memref_slice %arg9[%dma_wait3A_193, %dma_wait3A_194, %dma_wait3A_195, %dma_wait3A_196] : memref<4x4x10x129xf32, #tpu.memory_space<vmem>> -> memref<4x4x8x128xf32, #tpu.memory_space<vmem>>
          tpu.wait_dma2 semaphore(%arg13 : memref<!tpu.dma_semaphore, #tpu.memory_space<semaphore_mem>>) src(%dma_wait3A_197 : memref<4x4x8x128xf32, #tpu.memory_space<vmem>>) dst(%dma_wait3A_192 : memref<4x4x8x128xf32, #tpu.memory_space<hbm>>)
        } else {
        }
        %jit3A = arith.constant 8 : i32
        %div3A = vector.broadcast %jit3A : i32 to vector<16xi32>
        %div3A_89 = arith.divsi %iota3A, %div3A : vector<16xi32>
        %sign3A = arith.constant 0 : i32
        %sign3A_90 = vector.broadcast %sign3A : i32 to vector<16xi32>
        %sign3A_91 = arith.cmpi sgt, %iota3A, %sign3A_90 : vector<16xi32>
        %sign3A_92 = arith.extui %sign3A_91 : vector<16xi1> to vector<16xi32>
        %sign3A_93 = arith.constant 0 : i32
        %sign3A_94 = vector.broadcast %sign3A_93 : i32 to vector<16xi32>
        %sign3A_95 = arith.cmpi slt, %iota3A, %sign3A_94 : vector<16xi32>
        %sign3A_96 = arith.extui %sign3A_95 : vector<16xi1> to vector<16xi32>
        %sign3A_97 = arith.subi %sign3A_92, %sign3A_96 : vector<16xi32>
        %sign3A_98 = arith.constant 0 : i32
        %sign3A_99 = arith.cmpi sgt, %jit3A, %sign3A_98 : i32
        %sign3A_100 = arith.extui %sign3A_99 : i1 to i32
        %sign3A_101 = arith.constant 0 : i32
        %sign3A_102 = arith.cmpi slt, %jit3A, %sign3A_101 : i32
        %sign3A_103 = arith.extui %sign3A_102 : i1 to i32
        %sign3A_104 = arith.subi %sign3A_100, %sign3A_103 : i32
        %ne3A = vector.broadcast %sign3A_104 : i32 to vector<16xi32>
        %ne3A_105 = arith.cmpi ne, %sign3A_97, %ne3A : vector<16xi32>
        %rem3A_106 = vector.broadcast %jit3A : i32 to vector<16xi32>
        %rem3A_107 = arith.remsi %iota3A, %rem3A_106 : vector<16xi32>
        %ne3A_108 = arith.constant 0 : i32
        %ne3A_109 = vector.broadcast %ne3A_108 : i32 to vector<16xi32>
        %ne3A_110 = arith.cmpi ne, %rem3A_107, %ne3A_109 : vector<16xi32>
        %and3A = arith.andi %ne3A_105, %ne3A_110 : vector<16xi1>
        %sub3A = arith.constant 1 : i32
        %sub3A_111 = vector.broadcast %sub3A : i32 to vector<16xi32>
        %sub3A_112 = arith.subi %div3A_89, %sub3A_111 : vector<16xi32>
        %select_n3A = arith.select %and3A, %sub3A_112, %div3A_89 : vector<16xi1>, vector<16xi32>
        %jit3A_113 = arith.constant 8 : i32
        %div3A_114 = vector.broadcast %jit3A_113 : i32 to vector<16xi32>
        %div3A_115 = arith.divsi %iota3A, %div3A_114 : vector<16xi32>
        %sign3A_116 = arith.constant 0 : i32
        %sign3A_117 = vector.broadcast %sign3A_116 : i32 to vector<16xi32>
        %sign3A_118 = arith.cmpi sgt, %iota3A, %sign3A_117 : vector<16xi32>
        %sign3A_119 = arith.extui %sign3A_118 : vector<16xi1> to vector<16xi32>
        %sign3A_120 = arith.constant 0 : i32
        %sign3A_121 = vector.broadcast %sign3A_120 : i32 to vector<16xi32>
        %sign3A_122 = arith.cmpi slt, %iota3A, %sign3A_121 : vector<16xi32>
        %sign3A_123 = arith.extui %sign3A_122 : vector<16xi1> to vector<16xi32>
        %sign3A_124 = arith.subi %sign3A_119, %sign3A_123 : vector<16xi32>
        %sign3A_125 = arith.constant 0 : i32
        %sign3A_126 = arith.cmpi sgt, %jit3A_113, %sign3A_125 : i32
        %sign3A_127 = arith.extui %sign3A_126 : i1 to i32
        %sign3A_128 = arith.constant 0 : i32
        %sign3A_129 = arith.cmpi slt, %jit3A_113, %sign3A_128 : i32
        %sign3A_130 = arith.extui %sign3A_129 : i1 to i32
        %sign3A_131 = arith.subi %sign3A_127, %sign3A_130 : i32
        %ne3A_132 = vector.broadcast %sign3A_131 : i32 to vector<16xi32>
        %ne3A_133 = arith.cmpi ne, %sign3A_124, %ne3A_132 : vector<16xi32>
        %rem3A_134 = vector.broadcast %jit3A_113 : i32 to vector<16xi32>
        %rem3A_135 = arith.remsi %iota3A, %rem3A_134 : vector<16xi32>
        %ne3A_136 = arith.constant 0 : i32
        %ne3A_137 = vector.broadcast %ne3A_136 : i32 to vector<16xi32>
        %ne3A_138 = arith.cmpi ne, %rem3A_135, %ne3A_137 : vector<16xi32>
        %and3A_139 = arith.andi %ne3A_133, %ne3A_138 : vector<16xi1>
        %sub3A_140 = arith.constant 1 : i32
        %sub3A_141 = vector.broadcast %sub3A_140 : i32 to vector<16xi32>
        %sub3A_142 = arith.subi %div3A_115, %sub3A_141 : vector<16xi32>
        %select_n3A_143 = arith.select %and3A_139, %sub3A_142, %div3A_115 : vector<16xi1>, vector<16xi32>
        %add3A_144 = arith.constant 2 : i32
        %add3A_145 = vector.broadcast %add3A_144 : i32 to vector<16xi32>
        %add3A_146 = arith.addi %add3A_145, %select_n3A_143 : vector<16xi32>
        %rem3A_147 = arith.constant 8 : i32
        %rem3A_148 = vector.broadcast %rem3A_147 : i32 to vector<16xi32>
        %rem3A_149 = arith.remsi %iota3A, %rem3A_148 : vector<16xi32>
        %scan3A_150 = arith.constant 0 : i32
        %scan3A_151 = arith.constant 512 : i32
        %scan3A_152 = arith.addi %scan3A_150, %scan3A_151 : i32
        %scan3A_153 = arith.constant 8 : i32
        scf.for %scan3A_175 = %scan3A_150 to %scan3A_152 step %scan3A_153  : i32 {
          %mul3A_176 = arith.constant 1 : i32
          %mul3A_177 = arith.muli %scan3A_175, %mul3A_176 : i32
          %add3A_178 = arith.constant 0 : i32
          %add3A_179 = arith.addi %add3A_178, %mul3A_177 : i32
          %broadcast_in_dim3A = arith.constant 0 : i32
          %broadcast_in_dim3A_180 = vector.broadcast %broadcast_in_dim3A : i32 to vector<16xi32>
          %jit3A_181 = arith.constant 128 : i32
          %div3A_182 = arith.divsi %add3A_179, %jit3A_181 : i32
          %sign3A_183 = arith.constant 0 : i32
          %sign3A_184 = arith.cmpi sgt, %add3A_179, %sign3A_183 : i32
          %sign3A_185 = arith.extui %sign3A_184 : i1 to i32
          %sign3A_186 = arith.constant 0 : i32
          %sign3A_187 = arith.cmpi slt, %add3A_179, %sign3A_186 : i32
          %sign3A_188 = arith.extui %sign3A_187 : i1 to i32
          %sign3A_189 = arith.subi %sign3A_185, %sign3A_188 : i32
          %sign3A_190 = arith.constant 0 : i32
          %sign3A_191 = arith.cmpi sgt, %jit3A_181, %sign3A_190 : i32
          %sign3A_192 = arith.extui %sign3A_191 : i1 to i32
          %sign3A_193 = arith.constant 0 : i32
          %sign3A_194 = arith.cmpi slt, %jit3A_181, %sign3A_193 : i32
          %sign3A_195 = arith.extui %sign3A_194 : i1 to i32
          %sign3A_196 = arith.subi %sign3A_192, %sign3A_195 : i32
          %ne3A_197 = arith.cmpi ne, %sign3A_189, %sign3A_196 : i32
          %rem3A_198 = arith.remsi %add3A_179, %jit3A_181 : i32
          %ne3A_199 = arith.constant 0 : i32
          %ne3A_200 = arith.cmpi ne, %rem3A_198, %ne3A_199 : i32
          %and3A_201 = arith.andi %ne3A_197, %ne3A_200 : i1
          %sub3A_202 = arith.constant 1 : i32
          %sub3A_203 = arith.subi %div3A_182, %sub3A_202 : i32
          %select_n3A_204 = arith.select %and3A_201, %sub3A_203, %div3A_182 : i32
          %add3A_205 = vector.broadcast %select_n3A_204 : i32 to vector<16xi32>
          %add3A_206 = arith.addi %broadcast_in_dim3A_180, %add3A_205 : vector<16xi32>
          %broadcast_in_dim3A_207 = arith.constant 0 : i32
          %broadcast_in_dim3A_208 = vector.broadcast %broadcast_in_dim3A_207 : i32 to vector<16xi32>
          %rem3A_209 = arith.constant 128 : i32
          %rem3A_210 = arith.remsi %add3A_179, %rem3A_209 : i32
          %add3A_211 = vector.broadcast %rem3A_210 : i32 to vector<16xi32>
          %add3A_212 = arith.addi %broadcast_in_dim3A_208, %add3A_211 : vector<16xi32>
          %get3A = arith.index_cast %add3A_179 : i32 to index
          %get3A_213 = arith.constant 0 : index
          %get3A_214 = tpu.vector_load %arg7[%get3A, %get3A_213] {strides = array<i32>} : memref<512x32xf32, #tpu.memory_space<vmem>>, vector<16xf32>,
          tpu.vector_store_idx %arg9[%select_n3A, %add3A_206, %rem3A_149, %add3A_212], %get3A_214 : memref<4x4x10x129xf32, #tpu.memory_space<vmem>>[vector<16xi32>, vector<16xi32>, vector<16xi32>, vector<16xi32>], vector<16xf32>,
          %get3A_215 = arith.index_cast %add3A_179 : i32 to index
          %get3A_216 = arith.constant 16 : index
          %get3A_217 = tpu.vector_load %arg7[%get3A_215, %get3A_216] {strides = array<i32>} : memref<512x32xf32, #tpu.memory_space<vmem>>, vector<16xf32>,
          tpu.vector_store_idx %arg9[%add3A_146, %add3A_206, %rem3A_149, %add3A_212], %get3A_217 : memref<4x4x10x129xf32, #tpu.memory_space<vmem>>[vector<16xi32>, vector<16xi32>, vector<16xi32>, vector<16xi32>], vector<16xf32>,
          %scan3A_218 = arith.constant 1 : i32
          %scan3A_219 = arith.addi %scan3A_175, %scan3A_218 : i32
          %mul3A_220 = arith.constant 1 : i32
          %mul3A_221 = arith.muli %scan3A_219, %mul3A_220 : i32
          %add3A_222 = arith.constant 0 : i32
          %add3A_223 = arith.addi %add3A_222, %mul3A_221 : i32
          %broadcast_in_dim3A_224 = arith.constant 0 : i32
          %broadcast_in_dim3A_225 = vector.broadcast %broadcast_in_dim3A_224 : i32 to vector<16xi32>
          %jit3A_226 = arith.constant 128 : i32
          %div3A_227 = arith.divsi %add3A_223, %jit3A_226 : i32
          %sign3A_228 = arith.constant 0 : i32
          %sign3A_229 = arith.cmpi sgt, %add3A_223, %sign3A_228 : i32
          %sign3A_230 = arith.extui %sign3A_229 : i1 to i32
          %sign3A_231 = arith.constant 0 : i32
          %sign3A_232 = arith.cmpi slt, %add3A_223, %sign3A_231 : i32
          %sign3A_233 = arith.extui %sign3A_232 : i1 to i32
          %sign3A_234 = arith.subi %sign3A_230, %sign3A_233 : i32
          %sign3A_235 = arith.constant 0 : i32
          %sign3A_236 = arith.cmpi sgt, %jit3A_226, %sign3A_235 : i32
          %sign3A_237 = arith.extui %sign3A_236 : i1 to i32
          %sign3A_238 = arith.constant 0 : i32
          %sign3A_239 = arith.cmpi slt, %jit3A_226, %sign3A_238 : i32
          %sign3A_240 = arith.extui %sign3A_239 : i1 to i32
          %sign3A_241 = arith.subi %sign3A_237, %sign3A_240 : i32
          %ne3A_242 = arith.cmpi ne, %sign3A_234, %sign3A_241 : i32
          %rem3A_243 = arith.remsi %add3A_223, %jit3A_226 : i32
          %ne3A_244 = arith.constant 0 : i32
          %ne3A_245 = arith.cmpi ne, %rem3A_243, %ne3A_244 : i32
          %and3A_246 = arith.andi %ne3A_242, %ne3A_245 : i1
          %sub3A_247 = arith.constant 1 : i32
          %sub3A_248 = arith.subi %div3A_227, %sub3A_247 : i32
          %select_n3A_249 = arith.select %and3A_246, %sub3A_248, %div3A_227 : i32
          %add3A_250 = vector.broadcast %select_n3A_249 : i32 to vector<16xi32>
          %add3A_251 = arith.addi %broadcast_in_dim3A_225, %add3A_250 : vector<16xi32>
          %broadcast_in_dim3A_252 = arith.constant 0 : i32
          %broadcast_in_dim3A_253 = vector.broadcast %broadcast_in_dim3A_252 : i32 to vector<16xi32>
          %rem3A_254 = arith.constant 128 : i32
          %rem3A_255 = arith.remsi %add3A_223, %rem3A_254 : i32
          %add3A_256 = vector.broadcast %rem3A_255 : i32 to vector<16xi32>
          %add3A_257 = arith.addi %broadcast_in_dim3A_253, %add3A_256 : vector<16xi32>
          %get3A_258 = arith.index_cast %add3A_223 : i32 to index
          %get3A_259 = arith.constant 0 : index
          %get3A_260 = tpu.vector_load %arg7[%get3A_258, %get3A_259] {strides = array<i32>} : memref<512x32xf32, #tpu.memory_space<vmem>>, vector<16xf32>,
          tpu.vector_store_idx %arg9[%select_n3A, %add3A_251, %rem3A_149, %add3A_257], %get3A_260 : memref<4x4x10x129xf32, #tpu.memory_space<vmem>>[vector<16xi32>, vector<16xi32>, vector<16xi32>, vector<16xi32>], vector<16xf32>,
          %get3A_261 = arith.index_cast %add3A_223 : i32 to index
          %get3A_262 = arith.constant 16 : index
          %get3A_263 = tpu.vector_load %arg7[%get3A_261, %get3A_262] {strides = array<i32>} : memref<512x32xf32, #tpu.memory_space<vmem>>, vector<16xf32>,
          tpu.vector_store_idx %arg9[%add3A_146, %add3A_251, %rem3A_149, %add3A_257], %get3A_263 : memref<4x4x10x129xf32, #tpu.memory_space<vmem>>[vector<16xi32>, vector<16xi32>, vector<16xi32>, vector<16xi32>], vector<16xf32>,
          %scan3A_264 = arith.constant 2 : i32
          %scan3A_265 = arith.addi %scan3A_175, %scan3A_264 : i32
          %mul3A_266 = arith.constant 1 : i32
          %mul3A_267 = arith.muli %scan3A_265, %mul3A_266 : i32
          %add3A_268 = arith.constant 0 : i32
          %add3A_269 = arith.addi %add3A_268, %mul3A_267 : i32
          %broadcast_in_dim3A_270 = arith.constant 0 : i32
          %broadcast_in_dim3A_271 = vector.broadcast %broadcast_in_dim3A_270 : i32 to vector<16xi32>
          %jit3A_272 = arith.constant 128 : i32
          %div3A_273 = arith.divsi %add3A_269, %jit3A_272 : i32
          %sign3A_274 = arith.constant 0 : i32
          %sign3A_275 = arith.cmpi sgt, %add3A_269, %sign3A_274 : i32
          %sign3A_276 = arith.extui %sign3A_275 : i1 to i32
          %sign3A_277 = arith.constant 0 : i32
          %sign3A_278 = arith.cmpi slt, %add3A_269, %sign3A_277 : i32
          %sign3A_279 = arith.extui %sign3A_278 : i1 to i32
          %sign3A_280 = arith.subi %sign3A_276, %sign3A_279 : i32
          %sign3A_281 = arith.constant 0 : i32
          %sign3A_282 = arith.cmpi sgt, %jit3A_272, %sign3A_281 : i32
          %sign3A_283 = arith.extui %sign3A_282 : i1 to i32
          %sign3A_284 = arith.constant 0 : i32
          %sign3A_285 = arith.cmpi slt, %jit3A_272, %sign3A_284 : i32
          %sign3A_286 = arith.extui %sign3A_285 : i1 to i32
          %sign3A_287 = arith.subi %sign3A_283, %sign3A_286 : i32
          %ne3A_288 = arith.cmpi ne, %sign3A_280, %sign3A_287 : i32
          %rem3A_289 = arith.remsi %add3A_269, %jit3A_272 : i32
          %ne3A_290 = arith.constant 0 : i32
          %ne3A_291 = arith.cmpi ne, %rem3A_289, %ne3A_290 : i32
          %and3A_292 = arith.andi %ne3A_288, %ne3A_291 : i1
          %sub3A_293 = arith.constant 1 : i32
          %sub3A_294 = arith.subi %div3A_273, %sub3A_293 : i32
          %select_n3A_295 = arith.select %and3A_292, %sub3A_294, %div3A_273 : i32
          %add3A_296 = vector.broadcast %select_n3A_295 : i32 to vector<16xi32>
          %add3A_297 = arith.addi %broadcast_in_dim3A_271, %add3A_296 : vector<16xi32>
          %broadcast_in_dim3A_298 = arith.constant 0 : i32
          %broadcast_in_dim3A_299 = vector.broadcast %broadcast_in_dim3A_298 : i32 to vector<16xi32>
          %rem3A_300 = arith.constant 128 : i32
          %rem3A_301 = arith.remsi %add3A_269, %rem3A_300 : i32
          %add3A_302 = vector.broadcast %rem3A_301 : i32 to vector<16xi32>
          %add3A_303 = arith.addi %broadcast_in_dim3A_299, %add3A_302 : vector<16xi32>
          %get3A_304 = arith.index_cast %add3A_269 : i32 to index
          %get3A_305 = arith.constant 0 : index
          %get3A_306 = tpu.vector_load %arg7[%get3A_304, %get3A_305] {strides = array<i32>} : memref<512x32xf32, #tpu.memory_space<vmem>>, vector<16xf32>,
          tpu.vector_store_idx %arg9[%select_n3A, %add3A_297, %rem3A_149, %add3A_303], %get3A_306 : memref<4x4x10x129xf32, #tpu.memory_space<vmem>>[vector<16xi32>, vector<16xi32>, vector<16xi32>, vector<16xi32>], vector<16xf32>,
          %get3A_307 = arith.index_cast %add3A_269 : i32 to index
          %get3A_308 = arith.constant 16 : index
          %get3A_309 = tpu.vector_load %arg7[%get3A_307, %get3A_308] {strides = array<i32>} : memref<512x32xf32, #tpu.memory_space<vmem>>, vector<16xf32>,
          tpu.vector_store_idx %arg9[%add3A_146, %add3A_297, %rem3A_149, %add3A_303], %get3A_309 : memref<4x4x10x129xf32, #tpu.memory_space<vmem>>[vector<16xi32>, vector<16xi32>, vector<16xi32>, vector<16xi32>], vector<16xf32>,
          %scan3A_310 = arith.constant 3 : i32
          %scan3A_311 = arith.addi %scan3A_175, %scan3A_310 : i32
          %mul3A_312 = arith.constant 1 : i32
          %mul3A_313 = arith.muli %scan3A_311, %mul3A_312 : i32
          %add3A_314 = arith.constant 0 : i32
          %add3A_315 = arith.addi %add3A_314, %mul3A_313 : i32
          %broadcast_in_dim3A_316 = arith.constant 0 : i32
          %broadcast_in_dim3A_317 = vector.broadcast %broadcast_in_dim3A_316 : i32 to vector<16xi32>
          %jit3A_318 = arith.constant 128 : i32
          %div3A_319 = arith.divsi %add3A_315, %jit3A_318 : i32
          %sign3A_320 = arith.constant 0 : i32
          %sign3A_321 = arith.cmpi sgt, %add3A_315, %sign3A_320 : i32
          %sign3A_322 = arith.extui %sign3A_321 : i1 to i32
          %sign3A_323 = arith.constant 0 : i32
          %sign3A_324 = arith.cmpi slt, %add3A_315, %sign3A_323 : i32
          %sign3A_325 = arith.extui %sign3A_324 : i1 to i32
          %sign3A_326 = arith.subi %sign3A_322, %sign3A_325 : i32
          %sign3A_327 = arith.constant 0 : i32
          %sign3A_328 = arith.cmpi sgt, %jit3A_318, %sign3A_327 : i32
          %sign3A_329 = arith.extui %sign3A_328 : i1 to i32
          %sign3A_330 = arith.constant 0 : i32
          %sign3A_331 = arith.cmpi slt, %jit3A_318, %sign3A_330 : i32
          %sign3A_332 = arith.extui %sign3A_331 : i1 to i32
          %sign3A_333 = arith.subi %sign3A_329, %sign3A_332 : i32
          %ne3A_334 = arith.cmpi ne, %sign3A_326, %sign3A_333 : i32
          %rem3A_335 = arith.remsi %add3A_315, %jit3A_318 : i32
          %ne3A_336 = arith.constant 0 : i32
          %ne3A_337 = arith.cmpi ne, %rem3A_335, %ne3A_336 : i32
          %and3A_338 = arith.andi %ne3A_334, %ne3A_337 : i1
          %sub3A_339 = arith.constant 1 : i32
          %sub3A_340 = arith.subi %div3A_319, %sub3A_339 : i32
          %select_n3A_341 = arith.select %and3A_338, %sub3A_340, %div3A_319 : i32
          %add3A_342 = vector.broadcast %select_n3A_341 : i32 to vector<16xi32>
          %add3A_343 = arith.addi %broadcast_in_dim3A_317, %add3A_342 : vector<16xi32>
          %broadcast_in_dim3A_344 = arith.constant 0 : i32
          %broadcast_in_dim3A_345 = vector.broadcast %broadcast_in_dim3A_344 : i32 to vector<16xi32>
          %rem3A_346 = arith.constant 128 : i32
          %rem3A_347 = arith.remsi %add3A_315, %rem3A_346 : i32
          %add3A_348 = vector.broadcast %rem3A_347 : i32 to vector<16xi32>
          %add3A_349 = arith.addi %broadcast_in_dim3A_345, %add3A_348 : vector<16xi32>
          %get3A_350 = arith.index_cast %add3A_315 : i32 to index
          %get3A_351 = arith.constant 0 : index
          %get3A_352 = tpu.vector_load %arg7[%get3A_350, %get3A_351] {strides = array<i32>} : memref<512x32xf32, #tpu.memory_space<vmem>>, vector<16xf32>,
          tpu.vector_store_idx %arg9[%select_n3A, %add3A_343, %rem3A_149, %add3A_349], %get3A_352 : memref<4x4x10x129xf32, #tpu.memory_space<vmem>>[vector<16xi32>, vector<16xi32>, vector<16xi32>, vector<16xi32>], vector<16xf32>,
          %get3A_353 = arith.index_cast %add3A_315 : i32 to index
          %get3A_354 = arith.constant 16 : index
          %get3A_355 = tpu.vector_load %arg7[%get3A_353, %get3A_354] {strides = array<i32>} : memref<512x32xf32, #tpu.memory_space<vmem>>, vector<16xf32>,
          tpu.vector_store_idx %arg9[%add3A_146, %add3A_343, %rem3A_149, %add3A_349], %get3A_355 : memref<4x4x10x129xf32, #tpu.memory_space<vmem>>[vector<16xi32>, vector<16xi32>, vector<16xi32>, vector<16xi32>], vector<16xf32>,
          %scan3A_356 = arith.constant 4 : i32
          %scan3A_357 = arith.addi %scan3A_175, %scan3A_356 : i32
          %mul3A_358 = arith.constant 1 : i32
          %mul3A_359 = arith.muli %scan3A_357, %mul3A_358 : i32
          %add3A_360 = arith.constant 0 : i32
          %add3A_361 = arith.addi %add3A_360, %mul3A_359 : i32
          %broadcast_in_dim3A_362 = arith.constant 0 : i32
          %broadcast_in_dim3A_363 = vector.broadcast %broadcast_in_dim3A_362 : i32 to vector<16xi32>
          %jit3A_364 = arith.constant 128 : i32
          %div3A_365 = arith.divsi %add3A_361, %jit3A_364 : i32
          %sign3A_366 = arith.constant 0 : i32
          %sign3A_367 = arith.cmpi sgt, %add3A_361, %sign3A_366 : i32
          %sign3A_368 = arith.extui %sign3A_367 : i1 to i32
          %sign3A_369 = arith.constant 0 : i32
          %sign3A_370 = arith.cmpi slt, %add3A_361, %sign3A_369 : i32
          %sign3A_371 = arith.extui %sign3A_370 : i1 to i32
          %sign3A_372 = arith.subi %sign3A_368, %sign3A_371 : i32
          %sign3A_373 = arith.constant 0 : i32
          %sign3A_374 = arith.cmpi sgt, %jit3A_364, %sign3A_373 : i32
          %sign3A_375 = arith.extui %sign3A_374 : i1 to i32
          %sign3A_376 = arith.constant 0 : i32
          %sign3A_377 = arith.cmpi slt, %jit3A_364, %sign3A_376 : i32
          %sign3A_378 = arith.extui %sign3A_377 : i1 to i32
          %sign3A_379 = arith.subi %sign3A_375, %sign3A_378 : i32
          %ne3A_380 = arith.cmpi ne, %sign3A_372, %sign3A_379 : i32
          %rem3A_381 = arith.remsi %add3A_361, %jit3A_364 : i32
          %ne3A_382 = arith.constant 0 : i32
          %ne3A_383 = arith.cmpi ne, %rem3A_381, %ne3A_382 : i32
          %and3A_384 = arith.andi %ne3A_380, %ne3A_383 : i1
          %sub3A_385 = arith.constant 1 : i32
          %sub3A_386 = arith.subi %div3A_365, %sub3A_385 : i32
          %select_n3A_387 = arith.select %and3A_384, %sub3A_386, %div3A_365 : i32
          %add3A_388 = vector.broadcast %select_n3A_387 : i32 to vector<16xi32>
          %add3A_389 = arith.addi %broadcast_in_dim3A_363, %add3A_388 : vector<16xi32>
          %broadcast_in_dim3A_390 = arith.constant 0 : i32
          %broadcast_in_dim3A_391 = vector.broadcast %broadcast_in_dim3A_390 : i32 to vector<16xi32>
          %rem3A_392 = arith.constant 128 : i32
          %rem3A_393 = arith.remsi %add3A_361, %rem3A_392 : i32
          %add3A_394 = vector.broadcast %rem3A_393 : i32 to vector<16xi32>
          %add3A_395 = arith.addi %broadcast_in_dim3A_391, %add3A_394 : vector<16xi32>
          %get3A_396 = arith.index_cast %add3A_361 : i32 to index
          %get3A_397 = arith.constant 0 : index
          %get3A_398 = tpu.vector_load %arg7[%get3A_396, %get3A_397] {strides = array<i32>} : memref<512x32xf32, #tpu.memory_space<vmem>>, vector<16xf32>,
          tpu.vector_store_idx %arg9[%select_n3A, %add3A_389, %rem3A_149, %add3A_395], %get3A_398 : memref<4x4x10x129xf32, #tpu.memory_space<vmem>>[vector<16xi32>, vector<16xi32>, vector<16xi32>, vector<16xi32>], vector<16xf32>,
          %get3A_399 = arith.index_cast %add3A_361 : i32 to index
          %get3A_400 = arith.constant 16 : index
          %get3A_401 = tpu.vector_load %arg7[%get3A_399, %get3A_400] {strides = array<i32>} : memref<512x32xf32, #tpu.memory_space<vmem>>, vector<16xf32>,
          tpu.vector_store_idx %arg9[%add3A_146, %add3A_389, %rem3A_149, %add3A_395], %get3A_401 : memref<4x4x10x129xf32, #tpu.memory_space<vmem>>[vector<16xi32>, vector<16xi32>, vector<16xi32>, vector<16xi32>], vector<16xf32>,
          %scan3A_402 = arith.constant 5 : i32
          %scan3A_403 = arith.addi %scan3A_175, %scan3A_402 : i32
          %mul3A_404 = arith.constant 1 : i32
          %mul3A_405 = arith.muli %scan3A_403, %mul3A_404 : i32
          %add3A_406 = arith.constant 0 : i32
          %add3A_407 = arith.addi %add3A_406, %mul3A_405 : i32
          %broadcast_in_dim3A_408 = arith.constant 0 : i32
          %broadcast_in_dim3A_409 = vector.broadcast %broadcast_in_dim3A_408 : i32 to vector<16xi32>
          %jit3A_410 = arith.constant 128 : i32
          %div3A_411 = arith.divsi %add3A_407, %jit3A_410 : i32
          %sign3A_412 = arith.constant 0 : i32
          %sign3A_413 = arith.cmpi sgt, %add3A_407, %sign3A_412 : i32
          %sign3A_414 = arith.extui %sign3A_413 : i1 to i32
          %sign3A_415 = arith.constant 0 : i32
          %sign3A_416 = arith.cmpi slt, %add3A_407, %sign3A_415 : i32
          %sign3A_417 = arith.extui %sign3A_416 : i1 to i32
          %sign3A_418 = arith.subi %sign3A_414, %sign3A_417 : i32
          %sign3A_419 = arith.constant 0 : i32
          %sign3A_420 = arith.cmpi sgt, %jit3A_410, %sign3A_419 : i32
          %sign3A_421 = arith.extui %sign3A_420 : i1 to i32
          %sign3A_422 = arith.constant 0 : i32
          %sign3A_423 = arith.cmpi slt, %jit3A_410, %sign3A_422 : i32
          %sign3A_424 = arith.extui %sign3A_423 : i1 to i32
          %sign3A_425 = arith.subi %sign3A_421, %sign3A_424 : i32
          %ne3A_426 = arith.cmpi ne, %sign3A_418, %sign3A_425 : i32
          %rem3A_427 = arith.remsi %add3A_407, %jit3A_410 : i32
          %ne3A_428 = arith.constant 0 : i32
          %ne3A_429 = arith.cmpi ne, %rem3A_427, %ne3A_428 : i32
          %and3A_430 = arith.andi %ne3A_426, %ne3A_429 : i1
          %sub3A_431 = arith.constant 1 : i32
          %sub3A_432 = arith.subi %div3A_411, %sub3A_431 : i32
          %select_n3A_433 = arith.select %and3A_430, %sub3A_432, %div3A_411 : i32
          %add3A_434 = vector.broadcast %select_n3A_433 : i32 to vector<16xi32>
          %add3A_435 = arith.addi %broadcast_in_dim3A_409, %add3A_434 : vector<16xi32>
          %broadcast_in_dim3A_436 = arith.constant 0 : i32
          %broadcast_in_dim3A_437 = vector.broadcast %broadcast_in_dim3A_436 : i32 to vector<16xi32>
          %rem3A_438 = arith.constant 128 : i32
          %rem3A_439 = arith.remsi %add3A_407, %rem3A_438 : i32
          %add3A_440 = vector.broadcast %rem3A_439 : i32 to vector<16xi32>
          %add3A_441 = arith.addi %broadcast_in_dim3A_437, %add3A_440 : vector<16xi32>
          %get3A_442 = arith.index_cast %add3A_407 : i32 to index
          %get3A_443 = arith.constant 0 : index
          %get3A_444 = tpu.vector_load %arg7[%get3A_442, %get3A_443] {strides = array<i32>} : memref<512x32xf32, #tpu.memory_space<vmem>>, vector<16xf32>,
          tpu.vector_store_idx %arg9[%select_n3A, %add3A_435, %rem3A_149, %add3A_441], %get3A_444 : memref<4x4x10x129xf32, #tpu.memory_space<vmem>>[vector<16xi32>, vector<16xi32>, vector<16xi32>, vector<16xi32>], vector<16xf32>,
          %get3A_445 = arith.index_cast %add3A_407 : i32 to index
          %get3A_446 = arith.constant 16 : index
          %get3A_447 = tpu.vector_load %arg7[%get3A_445, %get3A_446] {strides = array<i32>} : memref<512x32xf32, #tpu.memory_space<vmem>>, vector<16xf32>,
          tpu.vector_store_idx %arg9[%add3A_146, %add3A_435, %rem3A_149, %add3A_441], %get3A_447 : memref<4x4x10x129xf32, #tpu.memory_space<vmem>>[vector<16xi32>, vector<16xi32>, vector<16xi32>, vector<16xi32>], vector<16xf32>,
          %scan3A_448 = arith.constant 6 : i32
          %scan3A_449 = arith.addi %scan3A_175, %scan3A_448 : i32
          %mul3A_450 = arith.constant 1 : i32
          %mul3A_451 = arith.muli %scan3A_449, %mul3A_450 : i32
          %add3A_452 = arith.constant 0 : i32
          %add3A_453 = arith.addi %add3A_452, %mul3A_451 : i32
          %broadcast_in_dim3A_454 = arith.constant 0 : i32
          %broadcast_in_dim3A_455 = vector.broadcast %broadcast_in_dim3A_454 : i32 to vector<16xi32>
          %jit3A_456 = arith.constant 128 : i32
          %div3A_457 = arith.divsi %add3A_453, %jit3A_456 : i32
          %sign3A_458 = arith.constant 0 : i32
          %sign3A_459 = arith.cmpi sgt, %add3A_453, %sign3A_458 : i32
          %sign3A_460 = arith.extui %sign3A_459 : i1 to i32
          %sign3A_461 = arith.constant 0 : i32
          %sign3A_462 = arith.cmpi slt, %add3A_453, %sign3A_461 : i32
          %sign3A_463 = arith.extui %sign3A_462 : i1 to i32
          %sign3A_464 = arith.subi %sign3A_460, %sign3A_463 : i32
          %sign3A_465 = arith.constant 0 : i32
          %sign3A_466 = arith.cmpi sgt, %jit3A_456, %sign3A_465 : i32
          %sign3A_467 = arith.extui %sign3A_466 : i1 to i32
          %sign3A_468 = arith.constant 0 : i32
          %sign3A_469 = arith.cmpi slt, %jit3A_456, %sign3A_468 : i32
          %sign3A_470 = arith.extui %sign3A_469 : i1 to i32
          %sign3A_471 = arith.subi %sign3A_467, %sign3A_470 : i32
          %ne3A_472 = arith.cmpi ne, %sign3A_464, %sign3A_471 : i32
          %rem3A_473 = arith.remsi %add3A_453, %jit3A_456 : i32
          %ne3A_474 = arith.constant 0 : i32
          %ne3A_475 = arith.cmpi ne, %rem3A_473, %ne3A_474 : i32
          %and3A_476 = arith.andi %ne3A_472, %ne3A_475 : i1
          %sub3A_477 = arith.constant 1 : i32
          %sub3A_478 = arith.subi %div3A_457, %sub3A_477 : i32
          %select_n3A_479 = arith.select %and3A_476, %sub3A_478, %div3A_457 : i32
          %add3A_480 = vector.broadcast %select_n3A_479 : i32 to vector<16xi32>
          %add3A_481 = arith.addi %broadcast_in_dim3A_455, %add3A_480 : vector<16xi32>
          %broadcast_in_dim3A_482 = arith.constant 0 : i32
          %broadcast_in_dim3A_483 = vector.broadcast %broadcast_in_dim3A_482 : i32 to vector<16xi32>
          %rem3A_484 = arith.constant 128 : i32
          %rem3A_485 = arith.remsi %add3A_453, %rem3A_484 : i32
          %add3A_486 = vector.broadcast %rem3A_485 : i32 to vector<16xi32>
          %add3A_487 = arith.addi %broadcast_in_dim3A_483, %add3A_486 : vector<16xi32>
          %get3A_488 = arith.index_cast %add3A_453 : i32 to index
          %get3A_489 = arith.constant 0 : index
          %get3A_490 = tpu.vector_load %arg7[%get3A_488, %get3A_489] {strides = array<i32>} : memref<512x32xf32, #tpu.memory_space<vmem>>, vector<16xf32>,
          tpu.vector_store_idx %arg9[%select_n3A, %add3A_481, %rem3A_149, %add3A_487], %get3A_490 : memref<4x4x10x129xf32, #tpu.memory_space<vmem>>[vector<16xi32>, vector<16xi32>, vector<16xi32>, vector<16xi32>], vector<16xf32>,
          %get3A_491 = arith.index_cast %add3A_453 : i32 to index
          %get3A_492 = arith.constant 16 : index
          %get3A_493 = tpu.vector_load %arg7[%get3A_491, %get3A_492] {strides = array<i32>} : memref<512x32xf32, #tpu.memory_space<vmem>>, vector<16xf32>,
          tpu.vector_store_idx %arg9[%add3A_146, %add3A_481, %rem3A_149, %add3A_487], %get3A_493 : memref<4x4x10x129xf32, #tpu.memory_space<vmem>>[vector<16xi32>, vector<16xi32>, vector<16xi32>, vector<16xi32>], vector<16xf32>,
          %scan3A_494 = arith.constant 7 : i32
          %scan3A_495 = arith.addi %scan3A_175, %scan3A_494 : i32
          %mul3A_496 = arith.constant 1 : i32
          %mul3A_497 = arith.muli %scan3A_495, %mul3A_496 : i32
          %add3A_498 = arith.constant 0 : i32
          %add3A_499 = arith.addi %add3A_498, %mul3A_497 : i32
          %broadcast_in_dim3A_500 = arith.constant 0 : i32
          %broadcast_in_dim3A_501 = vector.broadcast %broadcast_in_dim3A_500 : i32 to vector<16xi32>
          %jit3A_502 = arith.constant 128 : i32
          %div3A_503 = arith.divsi %add3A_499, %jit3A_502 : i32
          %sign3A_504 = arith.constant 0 : i32
          %sign3A_505 = arith.cmpi sgt, %add3A_499, %sign3A_504 : i32
          %sign3A_506 = arith.extui %sign3A_505 : i1 to i32
          %sign3A_507 = arith.constant 0 : i32
          %sign3A_508 = arith.cmpi slt, %add3A_499, %sign3A_507 : i32
          %sign3A_509 = arith.extui %sign3A_508 : i1 to i32
          %sign3A_510 = arith.subi %sign3A_506, %sign3A_509 : i32
          %sign3A_511 = arith.constant 0 : i32
          %sign3A_512 = arith.cmpi sgt, %jit3A_502, %sign3A_511 : i32
          %sign3A_513 = arith.extui %sign3A_512 : i1 to i32
          %sign3A_514 = arith.constant 0 : i32
          %sign3A_515 = arith.cmpi slt, %jit3A_502, %sign3A_514 : i32
          %sign3A_516 = arith.extui %sign3A_515 : i1 to i32
          %sign3A_517 = arith.subi %sign3A_513, %sign3A_516 : i32
          %ne3A_518 = arith.cmpi ne, %sign3A_510, %sign3A_517 : i32
          %rem3A_519 = arith.remsi %add3A_499, %jit3A_502 : i32
          %ne3A_520 = arith.constant 0 : i32
          %ne3A_521 = arith.cmpi ne, %rem3A_519, %ne3A_520 : i32
          %and3A_522 = arith.andi %ne3A_518, %ne3A_521 : i1
          %sub3A_523 = arith.constant 1 : i32
          %sub3A_524 = arith.subi %div3A_503, %sub3A_523 : i32
          %select_n3A_525 = arith.select %and3A_522, %sub3A_524, %div3A_503 : i32
          %add3A_526 = vector.broadcast %select_n3A_525 : i32 to vector<16xi32>
          %add3A_527 = arith.addi %broadcast_in_dim3A_501, %add3A_526 : vector<16xi32>
          %broadcast_in_dim3A_528 = arith.constant 0 : i32
          %broadcast_in_dim3A_529 = vector.broadcast %broadcast_in_dim3A_528 : i32 to vector<16xi32>
          %rem3A_530 = arith.constant 128 : i32
          %rem3A_531 = arith.remsi %add3A_499, %rem3A_530 : i32
          %add3A_532 = vector.broadcast %rem3A_531 : i32 to vector<16xi32>
          %add3A_533 = arith.addi %broadcast_in_dim3A_529, %add3A_532 : vector<16xi32>
          %get3A_534 = arith.index_cast %add3A_499 : i32 to index
          %get3A_535 = arith.constant 0 : index
          %get3A_536 = tpu.vector_load %arg7[%get3A_534, %get3A_535] {strides = array<i32>} : memref<512x32xf32, #tpu.memory_space<vmem>>, vector<16xf32>,
          tpu.vector_store_idx %arg9[%select_n3A, %add3A_527, %rem3A_149, %add3A_533], %get3A_536 : memref<4x4x10x129xf32, #tpu.memory_space<vmem>>[vector<16xi32>, vector<16xi32>, vector<16xi32>, vector<16xi32>], vector<16xf32>,
          %get3A_537 = arith.index_cast %add3A_499 : i32 to index
          %get3A_538 = arith.constant 16 : index
          %get3A_539 = tpu.vector_load %arg7[%get3A_537, %get3A_538] {strides = array<i32>} : memref<512x32xf32, #tpu.memory_space<vmem>>, vector<16xf32>,
          tpu.vector_store_idx %arg9[%add3A_146, %add3A_527, %rem3A_149, %add3A_533], %get3A_539 : memref<4x4x10x129xf32, #tpu.memory_space<vmem>>[vector<16xi32>, vector<16xi32>, vector<16xi32>, vector<16xi32>], vector<16xf32>,
        }
        %scan3A_154 = arith.constant 512 : i32
        %dma_start3A_155 = arith.constant 0 : i32
        %dma_start3A_156 = arith.constant 0 : i32
        %dma_start3A_157 = arith.constant 0 : i32
        %dma_start3A_158 = arith.constant 0 : i32
        %dma_start3A_159 = tpu.memref_slice %arg9[%dma_start3A_155, %dma_start3A_156, %dma_start3A_157, %dma_start3A_158] : memref<4x4x10x129xf32, #tpu.memory_space<vmem>> -> memref<4x4x8x128xf32, #tpu.memory_space<vmem>>
        %dma_start3A_160 = arith.constant 0 : i32
        %dma_start3A_161 = arith.constant 0 : i32
        %dma_start3A_162 = arith.constant 0 : i32
        %dma_start3A_163 = tpu.memref_slice %arg4[%add3A_64, %dma_start3A_160, %mul3A_4, %dma_start3A_161, %dma_start3A_162] : memref<50x4x128x8x128xf32, #tpu.memory_space<hbm>> -> memref<1x4x4x8x128xf32, #tpu.memory_space<hbm>>
        %dma_start3A_164 = tpu.memref_squeeze %dma_start3A_163 : memref<1x4x4x8x128xf32, #tpu.memory_space<hbm>> -> memref<4x4x8x128xf32, #tpu.memory_space<hbm>>
        %dma_start3A_165 = arith.constant 0 : i32
        %dma_start3A_166 = arith.constant 0 : i32
        %dma_start3A_167 = arith.constant 0 : i32
        %dma_start3A_168 = tpu.memref_slice %arg4[%add3A_64, %dma_start3A_165, %mul3A_4, %dma_start3A_166, %dma_start3A_167] : memref<50x4x128x8x128xf32, #tpu.memory_space<hbm>> -> memref<1x4x4x8x128xf32, #tpu.memory_space<hbm>>
        %dma_start3A_169 = tpu.memref_squeeze %dma_start3A_168 : memref<1x4x4x8x128xf32, #tpu.memory_space<hbm>> -> memref<4x4x8x128xf32, #tpu.memory_space<hbm>>
        %dma_start3A_170 = arith.constant 0 : i32
        %dma_start3A_171 = arith.constant 0 : i32
        %dma_start3A_172 = arith.constant 0 : i32
        %dma_start3A_173 = arith.constant 0 : i32
        %dma_start3A_174 = tpu.memref_slice %arg9[%dma_start3A_170, %dma_start3A_171, %dma_start3A_172, %dma_start3A_173] : memref<4x4x10x129xf32, #tpu.memory_space<vmem>> -> memref<4x4x8x128xf32, #tpu.memory_space<vmem>>
        tpu.enqueue_dma source(%dma_start3A_174 : memref<4x4x8x128xf32, #tpu.memory_space<vmem>>) target(%dma_start3A_169 : memref<4x4x8x128xf32, #tpu.memory_space<hbm>>) target_semaphore(%arg13 : memref<!tpu.dma_semaphore, #tpu.memory_space<semaphore_mem>>)
      } else {
      }
    }
    %scan3A_14 = arith.constant 50 : i32
    %dma_wait3A = arith.constant 0 : i32
    %dma_wait3A_15 = arith.constant 0 : i32
    %dma_wait3A_16 = arith.constant 0 : i32
    %dma_wait3A_17 = arith.constant 0 : i32
    %dma_wait3A_18 = arith.constant 0 : i32
    %dma_wait3A_19 = tpu.memref_slice %arg8[%dma_wait3A_15, %dma_wait3A_16, %dma_wait3A_17, %dma_wait3A_18] : memref<4x4x10x129xf32, #tpu.memory_space<vmem>> -> memref<4x4x8x128xf32, #tpu.memory_space<vmem>>
    %dma_wait3A_20 = arith.constant 0 : i32
    %dma_wait3A_21 = arith.constant 0 : i32
    %dma_wait3A_22 = arith.constant 0 : i32
    %dma_wait3A_23 = arith.constant 0 : i32
    %dma_wait3A_24 = tpu.memref_slice %arg4[%dma_wait3A, %dma_wait3A_20, %dma_wait3A_21, %dma_wait3A_22, %dma_wait3A_23] : memref<50x4x128x8x128xf32, #tpu.memory_space<hbm>> -> memref<1x4x4x8x128xf32, #tpu.memory_space<hbm>>
    %dma_wait3A_25 = tpu.memref_squeeze %dma_wait3A_24 : memref<1x4x4x8x128xf32, #tpu.memory_space<hbm>> -> memref<4x4x8x128xf32, #tpu.memory_space<hbm>>
    %dma_wait3A_26 = arith.constant 0 : i32
    %dma_wait3A_27 = arith.constant 0 : i32
    %dma_wait3A_28 = arith.constant 0 : i32
    %dma_wait3A_29 = arith.constant 0 : i32
    %dma_wait3A_30 = tpu.memref_slice %arg4[%dma_wait3A, %dma_wait3A_26, %dma_wait3A_27, %dma_wait3A_28, %dma_wait3A_29] : memref<50x4x128x8x128xf32, #tpu.memory_space<hbm>> -> memref<1x4x4x8x128xf32, #tpu.memory_space<hbm>>
    %dma_wait3A_31 = tpu.memref_squeeze %dma_wait3A_30 : memref<1x4x4x8x128xf32, #tpu.memory_space<hbm>> -> memref<4x4x8x128xf32, #tpu.memory_space<hbm>>
    %dma_wait3A_32 = arith.constant 0 : i32
    %dma_wait3A_33 = arith.constant 0 : i32
    %dma_wait3A_34 = arith.constant 0 : i32
    %dma_wait3A_35 = arith.constant 0 : i32
    %dma_wait3A_36 = tpu.memref_slice %arg8[%dma_wait3A_32, %dma_wait3A_33, %dma_wait3A_34, %dma_wait3A_35] : memref<4x4x10x129xf32, #tpu.memory_space<vmem>> -> memref<4x4x8x128xf32, #tpu.memory_space<vmem>>
    tpu.wait_dma2 semaphore(%arg12 : memref<!tpu.dma_semaphore, #tpu.memory_space<semaphore_mem>>) src(%dma_wait3A_36 : memref<4x4x8x128xf32, #tpu.memory_space<vmem>>) dst(%dma_wait3A_31 : memref<4x4x8x128xf32, #tpu.memory_space<hbm>>)
    %dma_wait3A_37 = arith.constant 0 : i32
    %dma_wait3A_38 = arith.constant 0 : i32
    %dma_wait3A_39 = arith.constant 0 : i32
    %dma_wait3A_40 = arith.constant 0 : i32
    %dma_wait3A_41 = arith.constant 0 : i32
    %dma_wait3A_42 = tpu.memref_slice %arg9[%dma_wait3A_38, %dma_wait3A_39, %dma_wait3A_40, %dma_wait3A_41] : memref<4x4x10x129xf32, #tpu.memory_space<vmem>> -> memref<4x4x8x128xf32, #tpu.memory_space<vmem>>
    %dma_wait3A_43 = arith.constant 0 : i32
    %dma_wait3A_44 = arith.constant 0 : i32
    %dma_wait3A_45 = arith.constant 0 : i32
    %dma_wait3A_46 = arith.constant 0 : i32
    %dma_wait3A_47 = tpu.memref_slice %arg4[%dma_wait3A_37, %dma_wait3A_43, %dma_wait3A_44, %dma_wait3A_45, %dma_wait3A_46] : memref<50x4x128x8x128xf32, #tpu.memory_space<hbm>> -> memref<1x4x4x8x128xf32, #tpu.memory_space<hbm>>
    %dma_wait3A_48 = tpu.memref_squeeze %dma_wait3A_47 : memref<1x4x4x8x128xf32, #tpu.memory_space<hbm>> -> memref<4x4x8x128xf32, #tpu.memory_space<hbm>>
    %dma_wait3A_49 = arith.constant 0 : i32
    %dma_wait3A_50 = arith.constant 0 : i32
    %dma_wait3A_51 = arith.constant 0 : i32
    %dma_wait3A_52 = arith.constant 0 : i32
    %dma_wait3A_53 = tpu.memref_slice %arg4[%dma_wait3A_37, %dma_wait3A_49, %dma_wait3A_50, %dma_wait3A_51, %dma_wait3A_52] : memref<50x4x128x8x128xf32, #tpu.memory_space<hbm>> -> memref<1x4x4x8x128xf32, #tpu.memory_space<hbm>>
    %dma_wait3A_54 = tpu.memref_squeeze %dma_wait3A_53 : memref<1x4x4x8x128xf32, #tpu.memory_space<hbm>> -> memref<4x4x8x128xf32, #tpu.memory_space<hbm>>
    %dma_wait3A_55 = arith.constant 0 : i32
    %dma_wait3A_56 = arith.constant 0 : i32
    %dma_wait3A_57 = arith.constant 0 : i32
    %dma_wait3A_58 = arith.constant 0 : i32
    %dma_wait3A_59 = tpu.memref_slice %arg9[%dma_wait3A_55, %dma_wait3A_56, %dma_wait3A_57, %dma_wait3A_58] : memref<4x4x10x129xf32, #tpu.memory_space<vmem>> -> memref<4x4x8x128xf32, #tpu.memory_space<vmem>>
    tpu.wait_dma2 semaphore(%arg13 : memref<!tpu.dma_semaphore, #tpu.memory_space<semaphore_mem>>) src(%dma_wait3A_59 : memref<4x4x8x128xf32, #tpu.memory_space<vmem>>) dst(%dma_wait3A_54 : memref<4x4x8x128xf32, #tpu.memory_space<hbm>>)
    return
  }
}

</mosaic_0001>

<sc_bundles>
// kernel: kernel.3.cloned.1.call-start
scs
__scs_entry_jumppad:
0x0: {  	(pc) =	sbr.rel $0x88, $3  }
0x1: {  	(tag) =	ssettag $0x0;
	lr =	simm.s32 $0x1  }
0x2: {  	[smem:$0x3F9F] =	sst lr;
	_ =	strace $0xD0000000  }
0x3: {  	_ = 	snop  }
0x4: {  	_ = 	snop  }
0x5: {  	_ = 	snop  }
0x6: {  	_ = 	snop  }
0x7: {  	_ = 	snop  }
__scs_overlays_trampoline_lowered:
0x8: {  	[smem:$0x3FAE] =	sst s0  }
0x9: {  	[smem:$0x3FAF] =	sst s1  }
0xa: {  	[smem:$0x3FB0] =	sst s2  }
0xb: {  	[smem:$0x3FB1] =	sst s3  }
0xc: {  	[smem:$0x3FB2] =	sst s4  }
0xd: {  	[smem:$0x3FB3] =	sst s5  }
0xe: {  	[smem:$0x3FB4] =	sst s6  }
0xf: {  	[smem:$0x3FB5] =	sst s7  }
0x10: {  	[smem:$0x3FB6] =	sst s8  }
0x11: {  	[smem:$0x3FB7] =	sst s9;
	s0 =	simm.s32 @!p0 $0x0  }
0x12: {  	s1 =	sld [smem:$0x3F9D];
	s0 =	simm.s32 @p0 $0x1  }
0x13: {  	[smem:$0x3FB8] =	sst s0;
	s0 =	simm.s32 @!p1 $0x0  }
0x14: {  	s2 =	sld [smem:$0x3F9C];
	s0 =	simm.s32 @p1 $0x1  }
0x15: {  	[smem:$0x3FB9] =	sst s0;
	s0 =	simm.s32 @!p2 $0x0  }
0x16: {  	s3 =	sld [smem:$0x3FDB];
	s0 =	simm.s32 @p2 $0x1  }
0x17: {  	s4 =	simm.s32 $0x1BF5;
	[smem:$0x3FBB] =	sst s0  }
0x18: {  	s0 =	sld [smem:$0x3F9E];
	_ =	swait.ge [sflag:s4], $0x0  }
0x19: {  	s7 =	sld [smem:$0x3F9F]  }
0x1a: {  	s8 =	sadd.s32 $0xFFFFE003, lr  }
0x1b: {  	s9 =	sadd.s32 $0xFFFFFEF7, lr;
	s5 =	simm.s32 $0xFFFFFFFF;
	p2 =	slt.u32 s8, $0xFFFFF086  }
0x1c: {  	p1 =	slt.u32 s9, $0xF7A;
	s5 =	simm.s32 @!p2 $0x0  }
0x1d: {  	s5 =	simm.s32 @p1 $0x1;
	p0 =	seq.s32 s7, s2  }
0x1e: {  	s7 =	smul.u32 @!p0 $0xF7A, s2;
	p2 =	seq.s32 @!p0 s5, $0x0  }
0x1f: {  	s9 =	smul.u32 $0xF7A, s1;
	s8 =	simm.s32 @!p0 $0x1BF5;
	p2 =	por !p2, p0  }
0x20: {  	[sflag:s8] =	ssyncset.s32 @!p0 $0xFFFFF086;
	s6 =	sadd.s32 @!p0 s3, s7;
	s7 =	simm.s32 @!p0 $0x108  }
0x21: {  	s3 =	sadd.s32 s3, s9;
	s6 =	sadd.s32 @!p0 $0x88, s6;
	s7 =	simm.s32 @p2 $0x1082  }
0x22: {  	[simem:s7], [sflag:s8] =	dma.local @!p0 [hbm:s6], $0xF7A  }
0x23: {  	s9 =	sor.u32 $0xD0000000, s2;
	s6 =	simm.s32 $0x108;
	_ =	swait.ge @!p0 [sflag:s8], $0x0  }
0x24: {  	s3 =	sadd.s32 $0x88, s3;
	s6 =	simm.s32 @!p1 $0x1082;
	[sflag:s4] =	ssyncset.s32 $0xFFFFF086  }
0x25: {  	[simem:s6], [sflag:s4] =	dma.local [hbm:s3], $0xF7A  }
0x26: {  	[smem:$0x3F9F] =	sst s1;
	(tag) =	ssettag s2;
	_ =	strace s9  }
0x27: {  	s1 =	sld [smem:$0x3FAF]  }
0x28: {  	s2 =	sld [smem:$0x3FB0]  }
0x29: {  	s4 =	sld [smem:$0x3FB2]  }
0x2a: {  	p0 =	seq.s32 s5, $0x0;
	s5 =	sld [smem:$0x3FB3]  }
0x2b: {  	s6 =	sld [smem:$0x3FB4]  }
0x2c: {  	s7 =	sld [smem:$0x3FB5]  }
0x2d: {  	s3 =	simm.s32 $0x108;
	s8 =	sld [smem:$0x3FB6]  }
0x2e: {  	s3 =	simm.s32 @!p0 $0x1082;
	s9 =	sld [smem:$0x3FB7]  }
0x2f: {  	lr =	sadd.s32 s0, s3;
	s0 =	sld [smem:$0x3FAE]  }
0x30: {  	s3 =	sld [smem:$0x3FB1]  }
0x31: {  	[smem:$0x3FBA] =	sst s10  }
0x32: {  	s10 =	sld [smem:$0x3FB8];
	_ =	sdelay $0x3  }
0x33: {  	p0 =	seq.s32 s10, $0x1;
	s10 =	sld [smem:$0x3FBA];
	_ =	sdelay $0x3  }
0x34: {  	[smem:$0x3FBA] =	sst s10  }
0x35: {  	s10 =	sld [smem:$0x3FB9];
	_ =	sdelay $0x3  }
0x36: {  	p1 =	seq.s32 s10, $0x1;
	s10 =	sld [smem:$0x3FBA];
	_ =	sdelay $0x3  }
0x37: {  	[smem:$0x3FBA] =	sst s10  }
0x38: {  	s10 =	sld [smem:$0x3FBB]  }
0x39: {  	_ = 	snop;
	(pc) =	sbr.ind lr, $3  }
0x3a: {  	_ = 	snop  }
0x3b: {  	_ = 	snop  }
0x3c: {  	p2 =	seq.s32 s10, $0x1;
	s10 =	sld [smem:$0x3FBA]  }
0x3d: {  	_ =	shalt  }
0x3e: {  	_ =	shalt  }
0x3f: {  	_ =	shalt  }
0x40: {  	_ =	shalt  }
0x41: {  	_ =	shalt  }
0x42: {  	_ =	shalt  }
0x43: {  	_ =	shalt  }
0x44: {  	_ =	shalt  }
0x45: {  	_ =	shalt  }
0x46: {  	_ =	shalt  }
0x47: {  	_ =	shalt  }
0x48: {  	_ =	shalt  }
0x49: {  	_ =	shalt  }
0x4a: {  	_ =	shalt  }
0x4b: {  	_ =	shalt  }
0x4c: {  	_ =	shalt  }
0x4d: {  	_ =	shalt  }
0x4e: {  	_ =	shalt  }
0x4f: {  	_ =	shalt  }
0x50: {  	_ =	shalt  }
0x51: {  	_ =	shalt  }
0x52: {  	_ =	shalt  }
0x53: {  	_ =	shalt  }
0x54: {  	_ =	shalt  }
0x55: {  	_ =	shalt  }
0x56: {  	_ =	shalt  }
0x57: {  	_ =	shalt  }
0x58: {  	_ =	shalt  }
0x59: {  	_ =	shalt  }
0x5a: {  	_ =	shalt  }
0x5b: {  	_ =	shalt  }
0x5c: {  	_ =	shalt  }
0x5d: {  	_ =	shalt  }
0x5e: {  	_ =	shalt  }
0x5f: {  	_ =	shalt  }
0x60: {  	_ =	shalt  }
0x61: {  	_ =	shalt  }
0x62: {  	_ =	shalt  }
0x63: {  	_ =	shalt  }
0x64: {  	_ =	shalt  }
0x65: {  	_ =	shalt  }
0x66: {  	_ =	shalt  }
0x67: {  	_ =	shalt  }
0x68: {  	_ =	shalt  }
0x69: {  	_ =	shalt  }
0x6a: {  	_ =	shalt  }
0x6b: {  	_ =	shalt  }
0x6c: {  	_ =	shalt  }
0x6d: {  	_ =	shalt  }
0x6e: {  	_ =	shalt  }
0x6f: {  	_ =	shalt  }
0x70: {  	_ =	shalt  }
0x71: {  	_ =	shalt  }
0x72: {  	_ =	shalt  }
0x73: {  	_ =	shalt  }
0x74: {  	_ =	shalt  }
0x75: {  	_ =	shalt  }
0x76: {  	_ =	shalt  }
0x77: {  	_ =	shalt  }
0x78: {  	_ =	shalt  }
0x79: {  	_ =	shalt  }
0x7a: {  	_ =	shalt  }
0x7b: {  	_ =	shalt  }
0x7c: {  	_ =	shalt  }
0x7d: {  	_ =	shalt  }
0x7e: {  	_ =	shalt  }
0x7f: {  	_ =	shalt  }
0x80: {  	_ =	shalt  }
0x81: {  	_ =	shalt  }
0x82: {  	_ =	shalt  }
0x83: {  	_ =	shalt  }
0x84: {  	_ =	shalt  }
0x85: {  	_ =	shalt  }
0x86: {  	_ =	shalt  }
0x87: {  	_ =	shalt  }
.Lfunc_end0:
.L_simem_size_0:
called_computation_lowered:
.L_overlay_start_0:
0x88: {  	s2 =	sld [smem:$0x3FD9]  }
0x89: {  	s3 =	sld [smem:$0x3FFE];
	_ =	sdelay $0x1  }
0x8a: {  	s1 =	srdreg.scid  }
0x8b: {  	s0 =	sand.u32 $0x1, s1  }
0x8c: {  	s17 =	sshll.u32 s0, $0xA;
	s2 =	sadd.s32 s3, s2  }
0x8d: {  	s2 =	sadd.s32 s2, s17  }
0x8e: {  	[smem:$0x3FC6] =	sst s2  }
0x8f: {  	_ = 	snop  }
0x90: {  	s2 =	sld [smem:$0x3FD0];
	(tm) =	ssettm $0x1  }
0x91: {  	s18 =	sld [smem:$0x3FFB];
	_ =	sdelay $0x3  }
0x92: {  	_ =	strace s18  }
0x93: {  	s3 =	sld [smem:$0x3FFC];
	_ =	sdelay $0x3  }
0x94: {  	_ =	strace s3  }
0x95: {  	s3 =	sld [smem:$0x3FFD];
	_ =	sdelay $0x3  }
0x96: {  	_ =	strace s3  }
0x97: {  	_ =	strace $0x8FFFFFFF  }
0x98: {  	s19 =	sld [smem:$0x3FDB];
	_ =	sdelay $0x1  }
0x99: {  	s4 =	simm.s32 $_scs_section_size  }
0x9a: {  	s5 =	simm.s32 $_size__tile_overlayer_lowered;
	s6 =	simm.s32 $_tile_overlayer_lowered  }
0x9b: {  	s22 =	simm.s32 $0x1BFF;
	s21 =	sshll.u32 s6, $0x1;
	s3 =	sadd.s32 s4, s19  }
0x9c: {  	s7 =	simm.s32 $0x0;
	s20 =	sshll.u32 s5, $0x1;
	s5 =	sadd.s32 s21, s3  }
0x9d: {  	[timem:s7], [sflag:s22] =	dma.local [hbm:s5], s20  }
0x9e: {  	_ =	swait.ge [sflag:s22], s20  }
0x9f: {  	s4 =	ssub.s32 $0x0, s20;
	[sflag:s22] =	ssyncset.done $0x0  }
0xa0: {  	[sflag:s22] =	ssyncadd.s32 s4;
	_ =	sdelay $0x1  }
0xa1: {  	s23 =	simm.s32 $0x1B8B  }
0xa2: {  	_ =	swait.ge [sflag:s23], $0x1  }
0xa3: {  	[sflag:s23] =	ssyncset.done $0x0  }
0xa4: {  	s25 =	simm.s32 $0x1B8E;
	s24 =	sld [smem:$0x3FFE];
	[sflag:s23] =	ssyncadd.s32 $0xFFFFFFFF  }
0xa5: {  	s26 =	simm.s32 $execute0_lowered;
	[smem:$0x3FD2] =	sst s25  }
0xa6: {  	s5 =	sshll.u32 s26, $0x1;
	_ =	strace $0x80000046;
	[dreg:$0x1] =	wrdreg $0xFFFFFFFF  }
0xa7: {  	s28 =	simm.s32 $_size_execute0_lowered;
	s3 =	sadd.s32 s3, s5;
	[dreg:$0x0] =	wrdreg $0x0  }
0xa8: {  	s5 =	sshll.u32 s28, $0x1;
	[dreg:$0x2] =	wrdreg s3  }
0xa9: {  	[dreg:$0x3] =	wrdreg s5  }
0xaa: {  	[dreg:$0x4] =	wrdreg $0xC0  }
0xab: {  	_ =	task [dreg:s7], $0x5FFFF  }
0xac: {  	[dreg:$0x1] =	wrdreg $0xFFFFFFFF  }
0xad: {  	[dreg:$0x0] =	wrdreg $0x60  }
0xae: {  	[dreg:$0x2] =	wrdreg s24  }
0xaf: {  	[dreg:$0x3] =	wrdreg s2  }
0xb0: {  	[dreg:$0x4] =	wrdreg $0x9  }
0xb1: {  	_ =	task.clear_ibuf [dreg:s7], $0x5FFFF;
	_ =	strace $0x90000046  }
0xb2: {  	s29 =	simm.s32 $0x9;
	_ =	strace $0x80000048  }
0xb3: {  	_ =	swait.ge [sflag:s29], $0x1  }
0xb4: {  	[sflag:s29] =	ssyncadd.s32 $0xFFFFFFFF  }
0xb5: {  	_ =	strace $0x90000048  }
0xb6: {  	_ =	sfence  }
0xb7: {  	s30 =	sld [smem:$0x0];
	_ =	sdelay $0x2  }
0xb8: {  	s31 =	sshll.u32 s1, $0xD;
	s1 =	sshrl.u32 s1, $0x2  }
0xb9: {  	s3 =	sand.u32 $0x4000, s31;
	s1 =	sadd.s32 s1, s30  }
0xba: {  	s0 =	sor.u32 s3, s0;
	s1 =	sshll.u32 s1, $0x11  }
0xbb: {  	s0 =	sor.u32 s1, s0  }
0xbc: {  	s0 =	sadd.s32 $0x8F2B, s0  }
0xbd: {  	[sflag:s0] =	ssyncadd.remote.s32 $0x1  }
0xbe: {  	_ =	sfence.sel $0xFFFF  }
0xbf: {  	[dreg:$0x0] =	wrdreg $0xFFFFFFFF;
	(pc) =	sbr.abs _section_cstart, $3  }
0xc0: {  	[dreg:$0x1] =	wrdreg $0xFFFFFFFF  }
0xc1: {  	_ =	task.clear_ibuf [dreg:s7], $0x2FFFF;
	_ =	strace $0x9FFFFFFF  }
0xc2: {  	(tm) =	ssettm $0x7FFFFFFF  }
0xc3: {  	_ =	shalt  }
tec
execute0_lowered:
.L_overlay_start_1:
0x0: {  	(tag) =	ssettag $0x1  }
0x1: {  	v0 =	vimm.s32 $0x18F8  }
0x2: {  	vm0 =	vcmask $0x300;
	vm1 =	vcmask $0x704;
	v1 =	vimm.s32 $0x4378  }
0x3: {  	vm2 =	vcmask $0xB08;
	v0 =	vsel vm0, $0x0, v0;
	v1 =	vsel vm0, $0x2A80, v1  }
0x4: {  	vm3 =	vcmask $0xF0C;
	v0 =	vsel vm1, $0x88, v0;
	v1 =	vsel vm1, $0x2B08, v1  }
0x5: {  	s4 =	rddreg [dreg:$0x0];
	vm15 =	vcmask $0x1310;
	v0 =	vsel vm2, $0x110, v0;
	v1 =	vsel vm2, $0x2B90, v1  }
0x6: {  	s5 =	rddreg [dreg:$0x1];
	vm6 =	vcmask $0x1714;
	v0 =	vsel vm3, $0x198, v0;
	v1 =	vsel vm3, $0x2C18, v1  }
0x7: {  	s0 =	rddreg [dreg:$0x2];
	vm7 =	vcmask $0x1B18;
	s2 =	simm.s32 $0x0;
	v0 =	vsel vm15, $0x220, v0;
	v1 =	vsel vm15, $0x2CA0, v1  }
0x8: {  	s3 =	srdreg.scid;
	s1 =	stileid.u32;
	vm8 =	vcmask $0x1F1C;
	s10 =	simm.s32 $0x6400;
	v0 =	vsel vm6, $0x2A8, v0;
	v1 =	vsel vm6, $0x2D28, v1  }
0x9: {  	vm9 =	vcmask $0x2320;
	s11 =	simm.s32 $0x2;
	s12 =	simm.s32 $0x13900;
	s13 =	simm.s32 $0x3;
	v0 =	vsel vm7, $0x330, v0;
	v1 =	vsel vm7, $0x2DB0, v1  }
0xa: {  	vm10 =	vcmask $0x2724;
	s14 =	simm.s32 $0x4;
	s15 =	simm.s32 $0xA400;
	s16 =	simm.s32 $0x1;
	v0 =	vsel vm8, $0x3B8, v0;
	v1 =	vsel vm8, $0x2E38, v1  }
0xb: {  	vm11 =	vcmask $0x2B28;
	s17 =	simm.s32 $0xE400;
	s18 =	simm.s32 $0x0;
	[smem:$0x7FF] =	sst s2;
	v0 =	vsel vm9, $0x1540, v0;
	v1 =	vsel vm9, $0x3FC0, v1  }
0xc: {  	vm12 =	vcmask $0x2F2C;
	s3 =	sand.u32 $0x1, s3;
	s6 =	sshll.u32 s1, $0x1;
	_ =	strace $0x80000047;
	v0 =	vsel vm10, $0x15C8, v0;
	v1 =	vsel vm10, $0x4048, v1  }
.Ltmp0:
0xd: {  	vm13 =	vcmask $0x3330;
	s6 =	sor.u32 s3, s6;
	s7 =	ssub.s32 $0x2, s3;
	v0 =	vsel vm11, $0x1650, v0;
	v1 =	vsel vm11, $0x40D0, v1;
	(pc) =	sbr.rel .LBB2_1-.Ltmp0, $4  }
0xe: {  	vm14 =	vcmask $0x3734;
	s3 =	sadd.s32 $0xF42A00, s4;
	s8 =	sshll.u32 s6, $0x6;
	s9 =	sshrl.u32 s7, $0x1;
	v0 =	vsel vm12, $0x16D8, v0;
	v1 =	vsel vm12, $0x4158, v1  }
0xf: {  	v2 =	vimm.s32 $0x0;
	s6 =	sshll.u32 s6, $0x9;
	s4 =	sadd.s32 s8, s4;
	s7 =	ssub.s32 s7, s9;
	v0 =	vsel vm13, $0x1760, v0;
	v1 =	vsel vm13, $0x41E0, v1  }
0x10: {  	s5 =	sadd.s32 s5, s6;
	s8 =	simm.s32 $0x4000;
	s9 =	simm.s32 $0x5;
	vm15 =	vcmask $0x3B38;
	v0 =	vsel vm14, $0x17E8, v0;
	v3 =	vsel vm14, $0x4268, v1  }
0x11: {  	s4 =	sadd.s32 $0x600, s4;
	s6 =	smax.u32 s7, $0x1;
	s7 =	simm.s32 $0x200;
	v1 =	vsel vm0, $0x3, v2;
	v0 =	vsel vm15, $0x1870, v0;
	v2 =	vsel vm15, $0x42F0, v3  }
.LBB2_14:
0x12: {  	s18 =	sadd.s32 $0x1, s18  }
0x13: {  	_ =	swait.ge [sflag:s13], $0x4000;
	p0 =	sne.s32 s18, s6  }
.Ltmp1:
0x14: {  	[sflag:s13] =	ssyncset.done $0x0;
	(pc) =	sbr.rel @!p0 .LBB2_15-.Ltmp1, $4  }
0x15: {  	[sflag:s13] =	ssyncadd.s32 $0xFFFFC000  }
0x16: {  	_ =	swait.ge [sflag:s14], $0x4000  }
0x17: {  	[sflag:s14] =	ssyncset.done $0x0  }
0x18: {  	[sflag:s14] =	ssyncadd.s32 $0xFFFFC000  }
.LBB2_1:
0x19: {  	[tilespmem:s2], [sflag:$0x5] =	stream.strided.gather [hbm4b:s4+s7], $0x6400, s8, s7, $0x38;
	[tilespmem:$0x18E00] =	vst v63  }
.Ltmp2:
0x1a: {  	_ = 	snop;
	(pc) =	sbr.rel .LBB2_2-.Ltmp2, $4  }
0x1b: {  	_ =	swait.ge [sflag:s9], $0x6400  }
0x1c: {  	[sflag:s9] =	ssyncset.done $0x0  }
0x1d: {  	s19 =	simm.s32 $0x0;
	[sflag:s9] =	ssyncadd.s32 $0xFFFF9C00  }
0x1e: {  	[tilespmem:s10], [sflag:$0x1] =	stream.indirect.gather [hbm4b:s3+s7], $0x20, s2, s7, $0xb8;
	[tilespmem:$0x18E00] =	vst v63  }
.LBB2_7:
0x1f: {  	[hbm4b:s25+s2] =	stream.linear.scatter [tilespmem:s22], [sflag:$0x3], $0x80, $0x38;
	[tilespmem:$0x18E00] =	vst v63  }
0x20: {  	s25 =	sadd.s32 $0xE400, s20  }
0x21: {  	[hbm4b:s21+s2] =	stream.linear.scatter [tilespmem:s25], [sflag:$0x3], $0x80, $0x38;
	[tilespmem:$0x18E00] =	vst v63  }
0x22: {  	s26 =	sadd.s32 $0xE488, s20;
	s23 =	sadd.s32 $0x10, s21  }
0x23: {  	[hbm4b:s23+s2] =	stream.linear.scatter [tilespmem:s26], [sflag:$0x3], $0x80, $0x38;
	[tilespmem:$0x18E00] =	vst v63  }
0x24: {  	s28 =	sadd.s32 $0xE510, s20;
	s29 =	sadd.s32 $0x20, s21  }
0x25: {  	[hbm4b:s29+s2] =	stream.linear.scatter [tilespmem:s28], [sflag:$0x3], $0x80, $0x38;
	[tilespmem:$0x18E00] =	vst v63  }
0x26: {  	s30 =	sadd.s32 $0xE598, s20;
	s31 =	sadd.s32 $0x30, s21  }
0x27: {  	[hbm4b:s31+s2] =	stream.linear.scatter [tilespmem:s30], [sflag:$0x3], $0x80, $0x38;
	[tilespmem:$0x18E00] =	vst v63  }
0x28: {  	s24 =	sadd.s32 $0x40, s21;
	s23 =	sadd.s32 $0xE620, s20  }
0x29: {  	[hbm4b:s24+s2] =	stream.linear.scatter [tilespmem:s23], [sflag:$0x3], $0x80, $0x38;
	[tilespmem:$0x18E00] =	vst v63  }
0x2a: {  	s25 =	sadd.s32 $0xE6A8, s20;
	s26 =	sadd.s32 $0x50, s21  }
0x2b: {  	[hbm4b:s26+s2] =	stream.linear.scatter [tilespmem:s25], [sflag:$0x3], $0x80, $0x38;
	[tilespmem:$0x18E00] =	vst v63  }
0x2c: {  	s28 =	sadd.s32 $0xE730, s20;
	s29 =	sadd.s32 $0x60, s21  }
0x2d: {  	[hbm4b:s29+s2] =	stream.linear.scatter [tilespmem:s28], [sflag:$0x3], $0x80, $0x38;
	[tilespmem:$0x18E00] =	vst v63  }
0x2e: {  	s30 =	sadd.s32 $0xE7B8, s20;
	s31 =	sadd.s32 $0x70, s21  }
0x2f: {  	[hbm4b:s31+s2] =	stream.linear.scatter [tilespmem:s30], [sflag:$0x3], $0x80, $0x38;
	[tilespmem:$0x18E00] =	vst v63  }
0x30: {  	s23 =	sadd.s32 $0xE950, s20;
	s24 =	sadd.s32 $0x80, s21  }
0x31: {  	[hbm4b:s24+s2] =	stream.linear.scatter [tilespmem:s23], [sflag:$0x3], $0x80, $0x38;
	[tilespmem:$0x18E00] =	vst v63  }
0x32: {  	s25 =	sadd.s32 $0xE9D8, s20;
	s26 =	sadd.s32 $0x90, s21  }
0x33: {  	[hbm4b:s26+s2] =	stream.linear.scatter [tilespmem:s25], [sflag:$0x3], $0x80, $0x38;
	[tilespmem:$0x18E00] =	vst v63  }
0x34: {  	s28 =	sadd.s32 $0xEA60, s20;
	s29 =	sadd.s32 $0xA0, s21  }
0x35: {  	[hbm4b:s29+s2] =	stream.linear.scatter [tilespmem:s28], [sflag:$0x3], $0x80, $0x38;
	[tilespmem:$0x18E00] =	vst v63  }
0x36: {  	s30 =	sadd.s32 $0xEAE8, s20;
	s31 =	sadd.s32 $0xB0, s21  }
0x37: {  	[hbm4b:s31+s2] =	stream.linear.scatter [tilespmem:s30], [sflag:$0x3], $0x80, $0x38;
	[tilespmem:$0x18E00] =	vst v63  }
0x38: {  	s23 =	sadd.s32 $0xEB70, s20;
	s24 =	sadd.s32 $0xC0, s21  }
0x39: {  	[hbm4b:s24+s2] =	stream.linear.scatter [tilespmem:s23], [sflag:$0x3], $0x80, $0x38;
	[tilespmem:$0x18E00] =	vst v63  }
0x3a: {  	s25 =	sadd.s32 $0xEBF8, s20;
	s26 =	sadd.s32 $0xD0, s21  }
0x3b: {  	[hbm4b:s26+s2] =	stream.linear.scatter [tilespmem:s25], [sflag:$0x3], $0x80, $0x38;
	[tilespmem:$0x18E00] =	vst v63  }
0x3c: {  	s28 =	sadd.s32 $0xEC80, s20;
	s29 =	sadd.s32 $0xE0, s21  }
0x3d: {  	[hbm4b:s29+s2] =	stream.linear.scatter [tilespmem:s28], [sflag:$0x3], $0x80, $0x38;
	[tilespmem:$0x18E00] =	vst v63  }
0x3e: {  	s30 =	sadd.s32 $0xED08, s20;
	s31 =	sadd.s32 $0xF0, s21  }
0x3f: {  	[hbm4b:s31+s2] =	stream.linear.scatter [tilespmem:s30], [sflag:$0x3], $0x80, $0x38;
	[tilespmem:$0x18E00] =	vst v63  }
0x40: {  	s23 =	sadd.s32 $0xEEA0, s20;
	s24 =	sadd.s32 $0x100, s21  }
0x41: {  	[hbm4b:s24+s2] =	stream.linear.scatter [tilespmem:s23], [sflag:$0x3], $0x80, $0x38;
	[tilespmem:$0x18E00] =	vst v63  }
0x42: {  	s25 =	sadd.s32 $0xEF28, s20;
	s26 =	sadd.s32 $0x110, s21  }
0x43: {  	[hbm4b:s26+s2] =	stream.linear.scatter [tilespmem:s25], [sflag:$0x3], $0x80, $0x38;
	[tilespmem:$0x18E00] =	vst v63  }
0x44: {  	s28 =	sadd.s32 $0xEFB0, s20;
	s29 =	sadd.s32 $0x120, s21  }
0x45: {  	[hbm4b:s29+s2] =	stream.linear.scatter [tilespmem:s28], [sflag:$0x3], $0x80, $0x38;
	[tilespmem:$0x18E00] =	vst v63  }
0x46: {  	s30 =	sadd.s32 $0xF038, s20;
	s31 =	sadd.s32 $0x130, s21  }
0x47: {  	[hbm4b:s31+s2] =	stream.linear.scatter [tilespmem:s30], [sflag:$0x3], $0x80, $0x38;
	[tilespmem:$0x18E00] =	vst v63  }
0x48: {  	s23 =	sadd.s32 $0xF0C0, s20;
	s24 =	sadd.s32 $0x140, s21  }
0x49: {  	[hbm4b:s24+s2] =	stream.linear.scatter [tilespmem:s23], [sflag:$0x3], $0x80, $0x38;
	[tilespmem:$0x18E00] =	vst v63  }
0x4a: {  	s25 =	sadd.s32 $0xF148, s20;
	s26 =	sadd.s32 $0x150, s21  }
0x4b: {  	[hbm4b:s26+s2] =	stream.linear.scatter [tilespmem:s25], [sflag:$0x3], $0x80, $0x38;
	[tilespmem:$0x18E00] =	vst v63  }
0x4c: {  	s28 =	sadd.s32 $0xF1D0, s20;
	s29 =	sadd.s32 $0x160, s21  }
0x4d: {  	[hbm4b:s29+s2] =	stream.linear.scatter [tilespmem:s28], [sflag:$0x3], $0x80, $0x38;
	[tilespmem:$0x18E00] =	vst v63  }
0x4e: {  	s30 =	sadd.s32 $0xF258, s20;
	s31 =	sadd.s32 $0x170, s21  }
0x4f: {  	[hbm4b:s31+s2] =	stream.linear.scatter [tilespmem:s30], [sflag:$0x3], $0x80, $0x38;
	[tilespmem:$0x18E00] =	vst v63  }
0x50: {  	s23 =	sadd.s32 $0xF3F0, s20;
	s24 =	sadd.s32 $0x180, s21  }
0x51: {  	[hbm4b:s24+s2] =	stream.linear.scatter [tilespmem:s23], [sflag:$0x3], $0x80, $0x38;
	[tilespmem:$0x18E00] =	vst v63  }
0x52: {  	s25 =	sadd.s32 $0xF478, s20;
	s26 =	sadd.s32 $0x190, s21  }
0x53: {  	[hbm4b:s26+s2] =	stream.linear.scatter [tilespmem:s25], [sflag:$0x3], $0x80, $0x38;
	[tilespmem:$0x18E00] =	vst v63  }
0x54: {  	s28 =	sadd.s32 $0xF500, s20;
	s29 =	sadd.s32 $0x1A0, s21  }
0x55: {  	[hbm4b:s29+s2] =	stream.linear.scatter [tilespmem:s28], [sflag:$0x3], $0x80, $0x38;
	[tilespmem:$0x18E00] =	vst v63  }
0x56: {  	s30 =	sadd.s32 $0xF588, s20;
	s31 =	sadd.s32 $0x1B0, s21  }
0x57: {  	[hbm4b:s31+s2] =	stream.linear.scatter [tilespmem:s30], [sflag:$0x3], $0x80, $0x38;
	[tilespmem:$0x18E00] =	vst v63  }
0x58: {  	s23 =	sadd.s32 $0xF610, s20;
	s24 =	sadd.s32 $0x1C0, s21  }
0x59: {  	[hbm4b:s24+s2] =	stream.linear.scatter [tilespmem:s23], [sflag:$0x3], $0x80, $0x38;
	[tilespmem:$0x18E00] =	vst v63  }
0x5a: {  	s25 =	sadd.s32 $0xF698, s20;
	s26 =	sadd.s32 $0x1D0, s21  }
0x5b: {  	[hbm4b:s26+s2] =	stream.linear.scatter [tilespmem:s25], [sflag:$0x3], $0x80, $0x38;
	[tilespmem:$0x18E00] =	vst v63  }
0x5c: {  	s28 =	sadd.s32 $0xF720, s20;
	s29 =	sadd.s32 $0x1E0, s21  }
0x5d: {  	[hbm4b:s29+s2] =	stream.linear.scatter [tilespmem:s28], [sflag:$0x3], $0x80, $0x38;
	[tilespmem:$0x18E00] =	vst v63  }
0x5e: {  	s30 =	sadd.s32 $0xF7A8, s20;
	s31 =	sadd.s32 $0x1F0, s21  }
0x5f: {  	[hbm4b:s31+s2] =	stream.linear.scatter [tilespmem:s30], [sflag:$0x3], $0x80, $0x38;
	[tilespmem:$0x18E00] =	vst v63  }
.LBB2_13:
0x60: {  	s19 =	sadd.s32 $0x1, s19  }
0x61: {  	p0 =	sne.s32 s19, $0x32  }
.Ltmp3:
0x62: {  	_ = 	snop;
	(pc) =	sbr.rel @!p0 .LBB2_14-.Ltmp3, $1  }
0x63: {  	_ =	sdelay $0x3  }
.LBB2_2:
0x64: {  	s20 =	sand.u32 $0x1, s19  }
0x65: {  	p0 =	seq.s32 s20, $0x1  }
.Ltmp4:
0x66: {  	_ = 	snop;
	(pc) =	sbr.rel @!p0 .LBB2_3-.Ltmp4, $1  }
0x67: {  	_ =	sdelay $0x3  }
0x68: {  	p0 =	seq.s32 s19, $0x31  }
0x69: {  	s20 =	sshll.u32 @!p0 s19, $0x9  }
0x6a: {  	s20 =	sand.u32 @!p0 $0x3FFFFE00, s20  }
0x6b: {  	s21 =	simm.s32 @!p0 $0x200;
	s22 =	simm.s32 @!p0 $0x6400;
	s20 =	sadd.s32 @!p0 $0x200, s20  }
0x6c: {  	[tilespmem:s22], [sflag:$0x1] =	stream.indirect.gather @!p0 [hbm4b:s3+s21], $0x20, s20, s21, $0xb8;
	[tilespmem:$0x18E00] =	vst v63  }
0x6d: {  	s20 =	simm.s32 $0x0;
	s22 =	simm.s32 $0x0  }
0x6e: {  	_ =	swait.ge [sflag:s11], $0x4000;
	s23 =	sand.u32 $0x78, s20;
	v3 =	vmov s22  }
0x6f: {  	p0 =	slt.u32 s19, $0x2;
	[sflag:s11] =	ssyncset.done $0x0;
	v4 =	vmov s23;
	v3 =	vmul.u32 $0x550, v3  }
0x70: {  	s21 =	simm.s32 @!p0 $0x4;
	[sflag:s11] =	ssyncadd.s32 $0xFFFFC000;
	v4 =	vshrl.u32 v4, $0x3  }
0x71: {  	_ =	swait.ge @!p0 [sflag:s21], $0x4000;
	v3 =	vbroadcast v3, $0x0;
	v4 =	vshll.u32 v4, v1  }
0x72: {  	[sflag:s21] =	ssyncset.done @!p0 $0x0;
	v4 =	vbroadcast v4, $0x0  }
0x73: {  	[sflag:s21] =	ssyncadd.s32 @!p0 $0xFFFFC000;
	s21 =	simm.s32 $0xA480;
	v6 =	vadd.s32 v0, v3  }
0x74: {  	v5 =	vld [tilespmem:s21+$0xFFFFFF80];
	v7 =	vadd.s32 v4, v6;
	_ =	sdelay $0x3  }
0x75: {  	s24 =	simm.s32 $0x1  }
0x76: {  	s22 =	sand.u32 $0x78, s24;
	v3 =	vadd.s32 v2, v3;
	[tilespmem:v7+s12+$0x0] =	vst.idx.msk $0xffff, v5  }
0x77: {  	v4 =	vadd.s32 v4, v3;
	v7 =	vmov s22;
	v5 =	vld [tilespmem:s21+$0xFFFFFF90]  }
0x78: {  	v7 =	vshrl.u32 v7, $0x3  }
0x79: {  	v7 =	vshll.u32 v7, v1  }
0x7a: {  	v7 =	vbroadcast v7, $0x0;
	_ =	sdelay $0x1  }
0x7b: {  	[tilespmem:v4+s12+$0x0] =	vst.idx.msk $0xffff, v5;
	v4 =	vadd.s32 v6, v7  }
0x7c: {  	v5 =	vld [tilespmem:s21+$0xFFFFFFA0];
	v4 =	vor.u32 $0x1, v4;
	_ =	sdelay $0x3  }
0x7d: {  	s25 =	simm.s32 $0x2  }
0x7e: {  	s22 =	sand.u32 $0x78, s25;
	[tilespmem:v4+s12+$0x0] =	vst.idx.msk $0xffff, v5;
	v4 =	vadd.s32 v3, v7  }
0x7f: {  	v7 =	vmov s22;
	v5 =	vld [tilespmem:s21+$0xFFFFFFB0];
	v4 =	vor.u32 $0x1, v4  }
0x80: {  	v7 =	vshrl.u32 v7, $0x3  }
0x81: {  	v7 =	vshll.u32 v7, v1  }
0x82: {  	v7 =	vbroadcast v7, $0x0;
	_ =	sdelay $0x1  }
0x83: {  	[tilespmem:v4+s12+$0x0] =	vst.idx.msk $0xffff, v5;
	v4 =	vadd.s32 v6, v7  }
0x84: {  	v5 =	vld [tilespmem:s21+$0xFFFFFFC0];
	v4 =	vor.u32 $0x2, v4;
	_ =	sdelay $0x3  }
0x85: {  	s26 =	simm.s32 $0x3  }
0x86: {  	s22 =	sand.u32 $0x78, s26;
	[tilespmem:v4+s12+$0x0] =	vst.idx.msk $0xffff, v5;
	v4 =	vadd.s32 v3, v7  }
0x87: {  	v7 =	vmov s22;
	v5 =	vld [tilespmem:s21+$0xFFFFFFD0];
	v4 =	vor.u32 $0x2, v4  }
0x88: {  	v7 =	vshrl.u32 v7, $0x3  }
0x89: {  	v7 =	vshll.u32 v7, v1  }
0x8a: {  	v7 =	vbroadcast v7, $0x0;
	_ =	sdelay $0x1  }
0x8b: {  	[tilespmem:v4+s12+$0x0] =	vst.idx.msk $0xffff, v5;
	v4 =	vadd.s32 v6, v7  }
0x8c: {  	v5 =	vld [tilespmem:s21+$0xFFFFFFE0];
	v4 =	vor.u32 $0x3, v4;
	_ =	sdelay $0x3  }
0x8d: {  	s28 =	simm.s32 $0x4  }
0x8e: {  	s22 =	sand.u32 $0x78, s28;
	[tilespmem:v4+s12+$0x0] =	vst.idx.msk $0xffff, v5;
	v4 =	vadd.s32 v3, v7  }
0x8f: {  	v7 =	vmov s22;
	v5 =	vld [tilespmem:s21+$0xFFFFFFF0];
	v4 =	vor.u32 $0x3, v4  }
0x90: {  	v7 =	vshrl.u32 v7, $0x3  }
0x91: {  	v7 =	vshll.u32 v7, v1  }
0x92: {  	v7 =	vbroadcast v7, $0x0;
	_ =	sdelay $0x1  }
0x93: {  	[tilespmem:v4+s12+$0x0] =	vst.idx.msk $0xffff, v5;
	v4 =	vadd.s32 v6, v7  }
0x94: {  	v5 =	vld [tilespmem:s21+$0x0];
	v4 =	vor.u32 $0x4, v4;
	_ =	sdelay $0x3  }
0x95: {  	s29 =	simm.s32 $0x5  }
0x96: {  	s22 =	sand.u32 $0x78, s29;
	[tilespmem:v4+s12+$0x0] =	vst.idx.msk $0xffff, v5;
	v4 =	vadd.s32 v3, v7  }
0x97: {  	v7 =	vmov s22;
	v5 =	vld [tilespmem:s21+$0x10];
	v4 =	vor.u32 $0x4, v4  }
0x98: {  	v7 =	vshrl.u32 v7, $0x3  }
0x99: {  	v7 =	vshll.u32 v7, v1  }
0x9a: {  	v7 =	vbroadcast v7, $0x0;
	_ =	sdelay $0x1  }
0x9b: {  	[tilespmem:v4+s12+$0x0] =	vst.idx.msk $0xffff, v5;
	v4 =	vadd.s32 v6, v7  }
0x9c: {  	v5 =	vld [tilespmem:s21+$0x20];
	v4 =	vor.u32 $0x5, v4;
	_ =	sdelay $0x3  }
0x9d: {  	s30 =	simm.s32 $0x6  }
0x9e: {  	s22 =	sand.u32 $0x78, s30;
	[tilespmem:v4+s12+$0x0] =	vst.idx.msk $0xffff, v5;
	v4 =	vadd.s32 v3, v7  }
0x9f: {  	v7 =	vmov s22;
	v5 =	vld [tilespmem:s21+$0x30];
	v4 =	vor.u32 $0x5, v4  }
0xa0: {  	v7 =	vshrl.u32 v7, $0x3  }
0xa1: {  	v7 =	vshll.u32 v7, v1  }
0xa2: {  	v7 =	vbroadcast v7, $0x0;
	_ =	sdelay $0x1  }
0xa3: {  	[tilespmem:v4+s12+$0x0] =	vst.idx.msk $0xffff, v5;
	v4 =	vadd.s32 v6, v7  }
0xa4: {  	v5 =	vld [tilespmem:s21+$0x40];
	v4 =	vor.u32 $0x6, v4;
	_ =	sdelay $0x3  }
0xa5: {  	s31 =	simm.s32 $0x7  }
0xa6: {  	s22 =	sand.u32 $0x78, s31;
	[tilespmem:v4+s12+$0x0] =	vst.idx.msk $0xffff, v5;
	v4 =	vadd.s32 v3, v7  }
0xa7: {  	v5 =	vmov s22;
	v7 =	vld [tilespmem:s21+$0x50];
	v4 =	vor.u32 $0x6, v4  }
0xa8: {  	v5 =	vshrl.u32 v5, $0x3  }
0xa9: {  	v5 =	vshll.u32 v5, v1  }
0xaa: {  	v5 =	vbroadcast v5, $0x0;
	_ =	sdelay $0x1  }
0xab: {  	v6 =	vadd.s32 v6, v5;
	[tilespmem:v4+s12+$0x0] =	vst.idx.msk $0xffff, v7  }
0xac: {  	v6 =	vor.u32 $0x7, v6;
	v4 =	vld [tilespmem:s21+$0x60]  }
.LBB2_9:
0xad: {  	_ =	sdelay $0x2  }
0xae: {  	s22 =	smov.u32 s20;
	s20 =	sadd.s32 $0x8, s20  }
0xaf: {  	v3 =	vadd.s32 v3, v5;
	s23 =	sshrl.u32 s20, $0x7;
	p0 =	slt.u32 s20, $0x1F8;
	[tilespmem:v6+s12+$0x0] =	vst.idx.msk $0xffff, v4  }
0xb0: {  	s24 =	sand.u32 $0x78, s20;
	v3 =	vor.u32 $0x7, v3;
	v4 =	vmov s23;
	v5 =	vld [tilespmem:s21+$0x70]  }
0xb1: {  	v6 =	vmov s24;
	v4 =	vmul.u32 $0x550, v4  }
0xb2: {  	v6 =	vshrl.u32 v6, $0x3  }
0xb3: {  	v7 =	vbroadcast v4, $0x0;
	v4 =	vshll.u32 v6, v1  }
0xb4: {  	v6 =	vbroadcast v4, $0x0  }
0xb5: {  	s21 =	sadd.s32 $0x100, s21;
	v4 =	vadd.s32 v0, v7;
	[tilespmem:v3+s12+$0x0] =	vst.idx.msk $0xffff, v5  }
0xb6: {  	v5 =	vadd.s32 v6, v4;
	v3 =	vld [tilespmem:s21+$0xFFFFFF80];
	_ =	sdelay $0x3  }
0xb7: {  	s23 =	sadd.s32 $0x9, s22  }
0xb8: {  	s23 =	sand.u32 $0x78, s23;
	[tilespmem:v5+s12+$0x0] =	vst.idx.msk $0xffff, v3;
	v3 =	vadd.s32 v2, v7  }
0xb9: {  	v7 =	vmov s23;
	v5 =	vld [tilespmem:s21+$0xFFFFFF90];
	v6 =	vadd.s32 v6, v3  }
0xba: {  	v7 =	vshrl.u32 v7, $0x3  }
0xbb: {  	v7 =	vshll.u32 v7, v1  }
0xbc: {  	v7 =	vbroadcast v7, $0x0;
	_ =	sdelay $0x1  }
0xbd: {  	[tilespmem:v6+s12+$0x0] =	vst.idx.msk $0xffff, v5;
	v5 =	vadd.s32 v4, v7  }
0xbe: {  	v6 =	vld [tilespmem:s21+$0xFFFFFFA0];
	v5 =	vor.u32 $0x1, v5;
	_ =	sdelay $0x3  }
0xbf: {  	s23 =	sadd.s32 $0xA, s22  }
0xc0: {  	s23 =	sand.u32 $0x78, s23;
	[tilespmem:v5+s12+$0x0] =	vst.idx.msk $0xffff, v6;
	v5 =	vadd.s32 v3, v7  }
0xc1: {  	v7 =	vmov s23;
	v6 =	vld [tilespmem:s21+$0xFFFFFFB0];
	v5 =	vor.u32 $0x1, v5  }
0xc2: {  	v7 =	vshrl.u32 v7, $0x3  }
0xc3: {  	v7 =	vshll.u32 v7, v1  }
0xc4: {  	v7 =	vbroadcast v7, $0x0;
	_ =	sdelay $0x1  }
0xc5: {  	[tilespmem:v5+s12+$0x0] =	vst.idx.msk $0xffff, v6;
	v5 =	vadd.s32 v4, v7  }
0xc6: {  	v6 =	vld [tilespmem:s21+$0xFFFFFFC0];
	v5 =	vor.u32 $0x2, v5;
	_ =	sdelay $0x3  }
0xc7: {  	s23 =	sadd.s32 $0xB, s22  }
0xc8: {  	s23 =	sand.u32 $0x78, s23;
	[tilespmem:v5+s12+$0x0] =	vst.idx.msk $0xffff, v6;
	v5 =	vadd.s32 v3, v7  }
0xc9: {  	v7 =	vmov s23;
	v6 =	vld [tilespmem:s21+$0xFFFFFFD0];
	v5 =	vor.u32 $0x2, v5  }
0xca: {  	v7 =	vshrl.u32 v7, $0x3  }
0xcb: {  	v7 =	vshll.u32 v7, v1  }
0xcc: {  	v7 =	vbroadcast v7, $0x0;
	_ =	sdelay $0x1  }
0xcd: {  	[tilespmem:v5+s12+$0x0] =	vst.idx.msk $0xffff, v6;
	v5 =	vadd.s32 v4, v7  }
0xce: {  	v6 =	vld [tilespmem:s21+$0xFFFFFFE0];
	v5 =	vor.u32 $0x3, v5;
	_ =	sdelay $0x3  }
0xcf: {  	s23 =	sadd.s32 $0xC, s22  }
0xd0: {  	s23 =	sand.u32 $0x78, s23;
	[tilespmem:v5+s12+$0x0] =	vst.idx.msk $0xffff, v6;
	v5 =	vadd.s32 v3, v7  }
0xd1: {  	v7 =	vmov s23;
	v6 =	vld [tilespmem:s21+$0xFFFFFFF0];
	v5 =	vor.u32 $0x3, v5  }
0xd2: {  	v7 =	vshrl.u32 v7, $0x3  }
0xd3: {  	v7 =	vshll.u32 v7, v1  }
0xd4: {  	v7 =	vbroadcast v7, $0x0;
	_ =	sdelay $0x1  }
0xd5: {  	[tilespmem:v5+s12+$0x0] =	vst.idx.msk $0xffff, v6;
	v5 =	vadd.s32 v4, v7  }
0xd6: {  	v6 =	vld [tilespmem:s21+$0x0];
	v5 =	vor.u32 $0x4, v5;
	_ =	sdelay $0x3  }
0xd7: {  	s23 =	sadd.s32 $0xD, s22  }
0xd8: {  	s23 =	sand.u32 $0x78, s23;
	[tilespmem:v5+s12+$0x0] =	vst.idx.msk $0xffff, v6;
	v5 =	vadd.s32 v3, v7  }
0xd9: {  	v7 =	vmov s23;
	v6 =	vld [tilespmem:s21+$0x10];
	v5 =	vor.u32 $0x4, v5  }
0xda: {  	v7 =	vshrl.u32 v7, $0x3  }
0xdb: {  	v7 =	vshll.u32 v7, v1  }
0xdc: {  	v7 =	vbroadcast v7, $0x0;
	_ =	sdelay $0x1  }
0xdd: {  	[tilespmem:v5+s12+$0x0] =	vst.idx.msk $0xffff, v6;
	v5 =	vadd.s32 v4, v7  }
0xde: {  	v6 =	vld [tilespmem:s21+$0x20];
	v5 =	vor.u32 $0x5, v5;
	_ =	sdelay $0x3  }
0xdf: {  	s23 =	sadd.s32 $0xE, s22  }
0xe0: {  	s23 =	sand.u32 $0x78, s23;
	[tilespmem:v5+s12+$0x0] =	vst.idx.msk $0xffff, v6;
	v5 =	vadd.s32 v3, v7  }
0xe1: {  	v7 =	vmov s23;
	v6 =	vld [tilespmem:s21+$0x30];
	v5 =	vor.u32 $0x5, v5  }
0xe2: {  	v7 =	vshrl.u32 v7, $0x3  }
0xe3: {  	v7 =	vshll.u32 v7, v1  }
0xe4: {  	v7 =	vbroadcast v7, $0x0;
	_ =	sdelay $0x1  }
0xe5: {  	[tilespmem:v5+s12+$0x0] =	vst.idx.msk $0xffff, v6;
	v5 =	vadd.s32 v4, v7  }
0xe6: {  	v6 =	vld [tilespmem:s21+$0x40];
	v5 =	vor.u32 $0x6, v5;
	_ =	sdelay $0x3  }
0xe7: {  	s22 =	sadd.s32 $0xF, s22  }
0xe8: {  	s22 =	sand.u32 $0x78, s22;
	[tilespmem:v5+s12+$0x0] =	vst.idx.msk $0xffff, v6;
	v5 =	vadd.s32 v3, v7  }
0xe9: {  	v6 =	vld [tilespmem:s21+$0x50];
	v7 =	vor.u32 $0x6, v5;
	v5 =	vmov s22  }
0xea: {  	v5 =	vshrl.u32 v5, $0x3  }
.Ltmp5:
0xeb: {  	v5 =	vshll.u32 v5, v1;
	(pc) =	sbr.rel @p0 .LBB2_9-.Ltmp5, $3  }
0xec: {  	v5 =	vbroadcast v5, $0x0;
	_ =	sdelay $0x1  }
0xed: {  	[tilespmem:v7+s12+$0x0] =	vst.idx.msk $0xffff, v6;
	v6 =	vadd.s32 v4, v5  }
0xee: {  	v4 =	vld [tilespmem:s21+$0x60];
	v6 =	vor.u32 $0x7, v6  }
0xef: {  	_ =	sdelay $0x3  }
0xf0: {  	v3 =	vadd.s32 v3, v5;
	[tilespmem:v6+s12+$0x0] =	vst.idx.msk $0xffff, v4  }
0xf1: {  	v3 =	vor.u32 $0x7, v3;
	v4 =	vld [tilespmem:s21+$0x70];
	_ =	sdelay $0x3  }
0xf2: {  	s20 =	sshll.u32 s19, $0x10  }
0xf3: {  	s28 =	simm.s32 $0x13900;
	s21 =	sadd.s32 s20, s5;
	[tilespmem:v3+s12+$0x0] =	vst.idx.msk $0xffff, v4  }
0xf4: {  	[hbm4b:s21+s2] =	stream.linear.scatter [tilespmem:s28], [sflag:$0x4], $0x80, $0x38;
	[tilespmem:$0x18E00] =	vst v63  }
0xf5: {  	s29 =	simm.s32 $0x13988;
	s22 =	sadd.s32 $0x10, s21  }
0xf6: {  	[hbm4b:s22+s2] =	stream.linear.scatter [tilespmem:s29], [sflag:$0x4], $0x80, $0x38;
	[tilespmem:$0x18E00] =	vst v63  }
0xf7: {  	s30 =	simm.s32 $0x13A10;
	s31 =	sadd.s32 $0x20, s21  }
0xf8: {  	[hbm4b:s31+s2] =	stream.linear.scatter [tilespmem:s30], [sflag:$0x4], $0x80, $0x38;
	[tilespmem:$0x18E00] =	vst v63  }
0xf9: {  	s23 =	simm.s32 $0x13A98;
	s24 =	sadd.s32 $0x30, s21  }
0xfa: {  	[hbm4b:s24+s2] =	stream.linear.scatter [tilespmem:s23], [sflag:$0x4], $0x80, $0x38;
	[tilespmem:$0x18E00] =	vst v63  }
0xfb: {  	s25 =	simm.s32 $0x13B20;
	s26 =	sadd.s32 $0x40, s21  }
0xfc: {  	[hbm4b:s26+s2] =	stream.linear.scatter [tilespmem:s25], [sflag:$0x4], $0x80, $0x38;
	[tilespmem:$0x18E00] =	vst v63  }
0xfd: {  	s28 =	simm.s32 $0x13BA8;
	s29 =	sadd.s32 $0x50, s21  }
0xfe: {  	[hbm4b:s29+s2] =	stream.linear.scatter [tilespmem:s28], [sflag:$0x4], $0x80, $0x38;
	[tilespmem:$0x18E00] =	vst v63  }
0xff: {  	s30 =	simm.s32 $0x13C30;
	s31 =	sadd.s32 $0x60, s21  }
0x100: {  	[hbm4b:s31+s2] =	stream.linear.scatter [tilespmem:s30], [sflag:$0x4], $0x80, $0x38;
	[tilespmem:$0x18E00] =	vst v63  }
0x101: {  	s23 =	simm.s32 $0x13CB8;
	s24 =	sadd.s32 $0x70, s21  }
0x102: {  	[hbm4b:s24+s2] =	stream.linear.scatter [tilespmem:s23], [sflag:$0x4], $0x80, $0x38;
	[tilespmem:$0x18E00] =	vst v63  }
0x103: {  	s25 =	simm.s32 $0x13E50;
	s26 =	sadd.s32 $0x80, s21  }
0x104: {  	[hbm4b:s26+s2] =	stream.linear.scatter [tilespmem:s25], [sflag:$0x4], $0x80, $0x38;
	[tilespmem:$0x18E00] =	vst v63  }
0x105: {  	s28 =	simm.s32 $0x13ED8;
	s29 =	sadd.s32 $0x90, s21  }
0x106: {  	[hbm4b:s29+s2] =	stream.linear.scatter [tilespmem:s28], [sflag:$0x4], $0x80, $0x38;
	[tilespmem:$0x18E00] =	vst v63  }
0x107: {  	s30 =	simm.s32 $0x13F60;
	s31 =	sadd.s32 $0xA0, s21  }
0x108: {  	[hbm4b:s31+s2] =	stream.linear.scatter [tilespmem:s30], [sflag:$0x4], $0x80, $0x38;
	[tilespmem:$0x18E00] =	vst v63  }
0x109: {  	s23 =	simm.s32 $0x13FE8;
	s24 =	sadd.s32 $0xB0, s21  }
0x10a: {  	[hbm4b:s24+s2] =	stream.linear.scatter [tilespmem:s23], [sflag:$0x4], $0x80, $0x38;
	[tilespmem:$0x18E00] =	vst v63  }
0x10b: {  	s25 =	simm.s32 $0x14070;
	s26 =	sadd.s32 $0xC0, s21  }
0x10c: {  	[hbm4b:s26+s2] =	stream.linear.scatter [tilespmem:s25], [sflag:$0x4], $0x80, $0x38;
	[tilespmem:$0x18E00] =	vst v63  }
0x10d: {  	s28 =	simm.s32 $0x140F8;
	s29 =	sadd.s32 $0xD0, s21  }
0x10e: {  	[hbm4b:s29+s2] =	stream.linear.scatter [tilespmem:s28], [sflag:$0x4], $0x80, $0x38;
	[tilespmem:$0x18E00] =	vst v63  }
0x10f: {  	s30 =	simm.s32 $0x14180;
	s31 =	sadd.s32 $0xE0, s21  }
0x110: {  	[hbm4b:s31+s2] =	stream.linear.scatter [tilespmem:s30], [sflag:$0x4], $0x80, $0x38;
	[tilespmem:$0x18E00] =	vst v63  }
0x111: {  	s23 =	simm.s32 $0x14208;
	s24 =	sadd.s32 $0xF0, s21  }
0x112: {  	[hbm4b:s24+s2] =	stream.linear.scatter [tilespmem:s23], [sflag:$0x4], $0x80, $0x38;
	[tilespmem:$0x18E00] =	vst v63  }
0x113: {  	s25 =	simm.s32 $0x143A0;
	s26 =	sadd.s32 $0x100, s21  }
0x114: {  	[hbm4b:s26+s2] =	stream.linear.scatter [tilespmem:s25], [sflag:$0x4], $0x80, $0x38;
	[tilespmem:$0x18E00] =	vst v63  }
0x115: {  	s28 =	simm.s32 $0x14428;
	s29 =	sadd.s32 $0x110, s21  }
0x116: {  	[hbm4b:s29+s2] =	stream.linear.scatter [tilespmem:s28], [sflag:$0x4], $0x80, $0x38;
	[tilespmem:$0x18E00] =	vst v63  }
0x117: {  	s30 =	simm.s32 $0x144B0;
	s31 =	sadd.s32 $0x120, s21  }
0x118: {  	[hbm4b:s31+s2] =	stream.linear.scatter [tilespmem:s30], [sflag:$0x4], $0x80, $0x38;
	[tilespmem:$0x18E00] =	vst v63  }
0x119: {  	s23 =	simm.s32 $0x14538;
	s24 =	sadd.s32 $0x130, s21  }
0x11a: {  	[hbm4b:s24+s2] =	stream.linear.scatter [tilespmem:s23], [sflag:$0x4], $0x80, $0x38;
	[tilespmem:$0x18E00] =	vst v63  }
0x11b: {  	s25 =	simm.s32 $0x145C0;
	s26 =	sadd.s32 $0x140, s21  }
0x11c: {  	[hbm4b:s26+s2] =	stream.linear.scatter [tilespmem:s25], [sflag:$0x4], $0x80, $0x38;
	[tilespmem:$0x18E00] =	vst v63  }
0x11d: {  	s28 =	simm.s32 $0x14648;
	s29 =	sadd.s32 $0x150, s21  }
0x11e: {  	[hbm4b:s29+s2] =	stream.linear.scatter [tilespmem:s28], [sflag:$0x4], $0x80, $0x38;
	[tilespmem:$0x18E00] =	vst v63  }
0x11f: {  	s30 =	simm.s32 $0x146D0;
	s31 =	sadd.s32 $0x160, s21  }
0x120: {  	[hbm4b:s31+s2] =	stream.linear.scatter [tilespmem:s30], [sflag:$0x4], $0x80, $0x38;
	[tilespmem:$0x18E00] =	vst v63  }
0x121: {  	s23 =	simm.s32 $0x14758;
	s24 =	sadd.s32 $0x170, s21  }
0x122: {  	[hbm4b:s24+s2] =	stream.linear.scatter [tilespmem:s23], [sflag:$0x4], $0x80, $0x38;
	[tilespmem:$0x18E00] =	vst v63  }
0x123: {  	s25 =	simm.s32 $0x148F0;
	s26 =	sadd.s32 $0x180, s21  }
0x124: {  	[hbm4b:s26+s2] =	stream.linear.scatter [tilespmem:s25], [sflag:$0x4], $0x80, $0x38;
	[tilespmem:$0x18E00] =	vst v63  }
0x125: {  	s28 =	simm.s32 $0x14978;
	s29 =	sadd.s32 $0x190, s21  }
0x126: {  	[hbm4b:s29+s2] =	stream.linear.scatter [tilespmem:s28], [sflag:$0x4], $0x80, $0x38;
	[tilespmem:$0x18E00] =	vst v63  }
0x127: {  	s20 =	simm.s32 $0x1540;
	s30 =	simm.s32 $0x14A00;
	s31 =	sadd.s32 $0x1A0, s21  }
0x128: {  	[hbm4b:s31+s2] =	stream.linear.scatter [tilespmem:s30], [sflag:$0x4], $0x80, $0x38;
	[tilespmem:$0x18E00] =	vst v63  }
0x129: {  	s22 =	simm.s32 $0x14CA8;
	s23 =	simm.s32 $0x14A88;
	s24 =	sadd.s32 $0x1B0, s21  }
0x12a: {  	[hbm4b:s24+s2] =	stream.linear.scatter [tilespmem:s23], [sflag:$0x4], $0x80, $0x38;
	[tilespmem:$0x18E00] =	vst v63  }
0x12b: {  	s25 =	simm.s32 $0x14B10;
	s26 =	sadd.s32 $0x1C0, s21;
	s28 =	simm.s32 $0x14B98  }
0x12c: {  	[hbm4b:s26+s2] =	stream.linear.scatter [tilespmem:s25], [sflag:$0x4], $0x80, $0x38;
	[tilespmem:$0x18E00] =	vst v63  }
0x12d: {  	s29 =	sadd.s32 $0x1D0, s21;
	s30 =	simm.s32 $0x14C20;
	s31 =	sadd.s32 $0x1E0, s21  }
0x12e: {  	[hbm4b:s29+s2] =	stream.linear.scatter [tilespmem:s28], [sflag:$0x4], $0x80, $0x38;
	[tilespmem:$0x18E00] =	vst v63  }
0x12f: {  	s24 =	simm.s32 $0xAA00;
	s25 =	sadd.s32 $0x1F0, s21;
	s21 =	sadd.s32 $0x4000, s21  }
0x130: {  	[hbm4b:s31+s2] =	stream.linear.scatter [tilespmem:s30], [sflag:$0x4], $0x80, $0x38;
	[tilespmem:$0x18E00] =	vst v63  }
.LBB2_11:
0x131: {  	[hbm4b:s25+s2] =	stream.linear.scatter [tilespmem:s22], [sflag:$0x4], $0x80, $0x38;
	[tilespmem:$0x18E00] =	vst v63  }
0x132: {  	s22 =	smov.u32 s20;
	s20 =	smov.u32 s24  }
0x133: {  	s23 =	sadd.s32 $0x5500, s24;
	s20 =	sshra.s32 s20, $0x2;
	s25 =	sadd.s32 $0x13900, s22  }
0x134: {  	[hbm4b:s21+s2] =	stream.linear.scatter [tilespmem:s25], [sflag:$0x4], $0x80, $0x38;
	[tilespmem:$0x18E00] =	vst v63  }
0x135: {  	p0 =	sne.s32 s24, $0xFF00;
	s24 =	sadd.s32 $0x13988, s22;
	s25 =	sadd.s32 $0x10, s21  }
0x136: {  	[hbm4b:s25+s2] =	stream.linear.scatter [tilespmem:s24], [sflag:$0x4], $0x80, $0x38;
	[tilespmem:$0x18E00] =	vst v63  }
0x137: {  	s24 =	sadd.s32 $0x13A10, s22;
	s25 =	sadd.s32 $0x20, s21  }
0x138: {  	[hbm4b:s25+s2] =	stream.linear.scatter [tilespmem:s24], [sflag:$0x4], $0x80, $0x38;
	[tilespmem:$0x18E00] =	vst v63  }
0x139: {  	s24 =	sadd.s32 $0x13A98, s22;
	s25 =	sadd.s32 $0x30, s21  }
0x13a: {  	[hbm4b:s25+s2] =	stream.linear.scatter [tilespmem:s24], [sflag:$0x4], $0x80, $0x38;
	[tilespmem:$0x18E00] =	vst v63  }
0x13b: {  	s24 =	sadd.s32 $0x13B20, s22;
	s25 =	sadd.s32 $0x40, s21  }
0x13c: {  	[hbm4b:s25+s2] =	stream.linear.scatter [tilespmem:s24], [sflag:$0x4], $0x80, $0x38;
	[tilespmem:$0x18E00] =	vst v63  }
0x13d: {  	s24 =	sadd.s32 $0x13BA8, s22;
	s25 =	sadd.s32 $0x50, s21  }
0x13e: {  	[hbm4b:s25+s2] =	stream.linear.scatter [tilespmem:s24], [sflag:$0x4], $0x80, $0x38;
	[tilespmem:$0x18E00] =	vst v63  }
0x13f: {  	s24 =	sadd.s32 $0x13C30, s22;
	s25 =	sadd.s32 $0x60, s21  }
0x140: {  	[hbm4b:s25+s2] =	stream.linear.scatter [tilespmem:s24], [sflag:$0x4], $0x80, $0x38;
	[tilespmem:$0x18E00] =	vst v63  }
0x141: {  	s24 =	sadd.s32 $0x13CB8, s22;
	s25 =	sadd.s32 $0x70, s21  }
0x142: {  	[hbm4b:s25+s2] =	stream.linear.scatter [tilespmem:s24], [sflag:$0x4], $0x80, $0x38;
	[tilespmem:$0x18E00] =	vst v63  }
0x143: {  	s24 =	sadd.s32 $0x13E50, s22;
	s25 =	sadd.s32 $0x80, s21  }
0x144: {  	[hbm4b:s25+s2] =	stream.linear.scatter [tilespmem:s24], [sflag:$0x4], $0x80, $0x38;
	[tilespmem:$0x18E00] =	vst v63  }
0x145: {  	s24 =	sadd.s32 $0x13ED8, s22;
	s25 =	sadd.s32 $0x90, s21  }
0x146: {  	[hbm4b:s25+s2] =	stream.linear.scatter [tilespmem:s24], [sflag:$0x4], $0x80, $0x38;
	[tilespmem:$0x18E00] =	vst v63  }
0x147: {  	s24 =	sadd.s32 $0x13F60, s22;
	s25 =	sadd.s32 $0xA0, s21  }
0x148: {  	[hbm4b:s25+s2] =	stream.linear.scatter [tilespmem:s24], [sflag:$0x4], $0x80, $0x38;
	[tilespmem:$0x18E00] =	vst v63  }
0x149: {  	s24 =	sadd.s32 $0x13FE8, s22;
	s25 =	sadd.s32 $0xB0, s21  }
0x14a: {  	[hbm4b:s25+s2] =	stream.linear.scatter [tilespmem:s24], [sflag:$0x4], $0x80, $0x38;
	[tilespmem:$0x18E00] =	vst v63  }
0x14b: {  	s24 =	sadd.s32 $0x14070, s22;
	s25 =	sadd.s32 $0xC0, s21  }
0x14c: {  	[hbm4b:s25+s2] =	stream.linear.scatter [tilespmem:s24], [sflag:$0x4], $0x80, $0x38;
	[tilespmem:$0x18E00] =	vst v63  }
0x14d: {  	s24 =	sadd.s32 $0x140F8, s22;
	s25 =	sadd.s32 $0xD0, s21  }
0x14e: {  	[hbm4b:s25+s2] =	stream.linear.scatter [tilespmem:s24], [sflag:$0x4], $0x80, $0x38;
	[tilespmem:$0x18E00] =	vst v63  }
0x14f: {  	s24 =	sadd.s32 $0x14180, s22;
	s25 =	sadd.s32 $0xE0, s21  }
0x150: {  	[hbm4b:s25+s2] =	stream.linear.scatter [tilespmem:s24], [sflag:$0x4], $0x80, $0x38;
	[tilespmem:$0x18E00] =	vst v63  }
0x151: {  	s24 =	sadd.s32 $0x14208, s22;
	s25 =	sadd.s32 $0xF0, s21  }
0x152: {  	[hbm4b:s25+s2] =	stream.linear.scatter [tilespmem:s24], [sflag:$0x4], $0x80, $0x38;
	[tilespmem:$0x18E00] =	vst v63  }
0x153: {  	s24 =	sadd.s32 $0x143A0, s22;
	s25 =	sadd.s32 $0x100, s21  }
0x154: {  	[hbm4b:s25+s2] =	stream.linear.scatter [tilespmem:s24], [sflag:$0x4], $0x80, $0x38;
	[tilespmem:$0x18E00] =	vst v63  }
0x155: {  	s24 =	sadd.s32 $0x14428, s22;
	s25 =	sadd.s32 $0x110, s21  }
0x156: {  	[hbm4b:s25+s2] =	stream.linear.scatter [tilespmem:s24], [sflag:$0x4], $0x80, $0x38;
	[tilespmem:$0x18E00] =	vst v63  }
0x157: {  	s24 =	sadd.s32 $0x144B0, s22;
	s25 =	sadd.s32 $0x120, s21  }
0x158: {  	[hbm4b:s25+s2] =	stream.linear.scatter [tilespmem:s24], [sflag:$0x4], $0x80, $0x38;
	[tilespmem:$0x18E00] =	vst v63  }
0x159: {  	s24 =	sadd.s32 $0x14538, s22;
	s25 =	sadd.s32 $0x130, s21  }
0x15a: {  	[hbm4b:s25+s2] =	stream.linear.scatter [tilespmem:s24], [sflag:$0x4], $0x80, $0x38;
	[tilespmem:$0x18E00] =	vst v63  }
0x15b: {  	s24 =	sadd.s32 $0x145C0, s22;
	s25 =	sadd.s32 $0x140, s21  }
0x15c: {  	[hbm4b:s25+s2] =	stream.linear.scatter [tilespmem:s24], [sflag:$0x4], $0x80, $0x38;
	[tilespmem:$0x18E00] =	vst v63  }
0x15d: {  	s24 =	sadd.s32 $0x14648, s22;
	s25 =	sadd.s32 $0x150, s21  }
0x15e: {  	[hbm4b:s25+s2] =	stream.linear.scatter [tilespmem:s24], [sflag:$0x4], $0x80, $0x38;
	[tilespmem:$0x18E00] =	vst v63  }
0x15f: {  	s24 =	sadd.s32 $0x146D0, s22;
	s25 =	sadd.s32 $0x160, s21  }
0x160: {  	[hbm4b:s25+s2] =	stream.linear.scatter [tilespmem:s24], [sflag:$0x4], $0x80, $0x38;
	[tilespmem:$0x18E00] =	vst v63  }
0x161: {  	s24 =	sadd.s32 $0x14758, s22;
	s25 =	sadd.s32 $0x170, s21  }
0x162: {  	[hbm4b:s25+s2] =	stream.linear.scatter [tilespmem:s24], [sflag:$0x4], $0x80, $0x38;
	[tilespmem:$0x18E00] =	vst v63  }
0x163: {  	s24 =	sadd.s32 $0x148F0, s22;
	s25 =	sadd.s32 $0x180, s21  }
0x164: {  	[hbm4b:s25+s2] =	stream.linear.scatter [tilespmem:s24], [sflag:$0x4], $0x80, $0x38;
	[tilespmem:$0x18E00] =	vst v63  }
0x165: {  	s24 =	sadd.s32 $0x14978, s22;
	s25 =	sadd.s32 $0x190, s21  }
0x166: {  	[hbm4b:s25+s2] =	stream.linear.scatter [tilespmem:s24], [sflag:$0x4], $0x80, $0x38;
	[tilespmem:$0x18E00] =	vst v63  }
0x167: {  	s24 =	sadd.s32 $0x14A00, s22;
	s25 =	sadd.s32 $0x1A0, s21  }
0x168: {  	[hbm4b:s25+s2] =	stream.linear.scatter [tilespmem:s24], [sflag:$0x4], $0x80, $0x38;
	[tilespmem:$0x18E00] =	vst v63  }
0x169: {  	s24 =	sadd.s32 $0x14A88, s22;
	s25 =	sadd.s32 $0x1B0, s21  }
0x16a: {  	[hbm4b:s25+s2] =	stream.linear.scatter [tilespmem:s24], [sflag:$0x4], $0x80, $0x38;
	[tilespmem:$0x18E00] =	vst v63  }
0x16b: {  	s24 =	sadd.s32 $0x14B10, s22;
	s25 =	sadd.s32 $0x1C0, s21  }
0x16c: {  	[hbm4b:s25+s2] =	stream.linear.scatter [tilespmem:s24], [sflag:$0x4], $0x80, $0x38;
	[tilespmem:$0x18E00] =	vst v63  }
.Ltmp6:
0x16d: {  	s24 =	sadd.s32 $0x14B98, s22;
	s25 =	sadd.s32 $0x1D0, s21;
	(pc) =	sbr.rel @p0 .LBB2_11-.Ltmp6, $4  }
0x16e: {  	[hbm4b:s25+s2] =	stream.linear.scatter [tilespmem:s24], [sflag:$0x4], $0x80, $0x38;
	[tilespmem:$0x18E00] =	vst v63  }
0x16f: {  	s24 =	sadd.s32 $0x14C20, s22;
	s25 =	sadd.s32 $0x1E0, s21;
	s22 =	sadd.s32 $0x14CA8, s22  }
0x170: {  	[hbm4b:s25+s2] =	stream.linear.scatter [tilespmem:s24], [sflag:$0x4], $0x80, $0x38;
	[tilespmem:$0x18E00] =	vst v63  }
0x171: {  	s25 =	sadd.s32 $0x1F0, s21;
	s21 =	sadd.s32 $0x4000, s21;
	s24 =	smov.u32 s23  }
0x172: {  	[hbm4b:s25+s2] =	stream.linear.scatter [tilespmem:s22], [sflag:$0x4], $0x80, $0x38;
	[tilespmem:$0x18E00] =	vst v63  }
0x173: {  	s25 =	sadd.s32 $0x13900, s20  }
0x174: {  	[hbm4b:s21+s2] =	stream.linear.scatter [tilespmem:s25], [sflag:$0x4], $0x80, $0x38;
	[tilespmem:$0x18E00] =	vst v63  }
0x175: {  	s26 =	sadd.s32 $0x13988, s20;
	s23 =	sadd.s32 $0x10, s21  }
0x176: {  	[hbm4b:s23+s2] =	stream.linear.scatter [tilespmem:s26], [sflag:$0x4], $0x80, $0x38;
	[tilespmem:$0x18E00] =	vst v63  }
0x177: {  	s28 =	sadd.s32 $0x13A10, s20;
	s29 =	sadd.s32 $0x20, s21  }
0x178: {  	[hbm4b:s29+s2] =	stream.linear.scatter [tilespmem:s28], [sflag:$0x4], $0x80, $0x38;
	[tilespmem:$0x18E00] =	vst v63  }
0x179: {  	s30 =	sadd.s32 $0x13A98, s20;
	s31 =	sadd.s32 $0x30, s21  }
0x17a: {  	[hbm4b:s31+s2] =	stream.linear.scatter [tilespmem:s30], [sflag:$0x4], $0x80, $0x38;
	[tilespmem:$0x18E00] =	vst v63  }
0x17b: {  	s24 =	sadd.s32 $0x40, s21;
	s23 =	sadd.s32 $0x13B20, s20  }
0x17c: {  	[hbm4b:s24+s2] =	stream.linear.scatter [tilespmem:s23], [sflag:$0x4], $0x80, $0x38;
	[tilespmem:$0x18E00] =	vst v63  }
0x17d: {  	s25 =	sadd.s32 $0x13BA8, s20;
	s26 =	sadd.s32 $0x50, s21  }
0x17e: {  	[hbm4b:s26+s2] =	stream.linear.scatter [tilespmem:s25], [sflag:$0x4], $0x80, $0x38;
	[tilespmem:$0x18E00] =	vst v63  }
0x17f: {  	s28 =	sadd.s32 $0x13C30, s20;
	s29 =	sadd.s32 $0x60, s21  }
0x180: {  	[hbm4b:s29+s2] =	stream.linear.scatter [tilespmem:s28], [sflag:$0x4], $0x80, $0x38;
	[tilespmem:$0x18E00] =	vst v63  }
0x181: {  	s30 =	sadd.s32 $0x13CB8, s20;
	s31 =	sadd.s32 $0x70, s21  }
0x182: {  	[hbm4b:s31+s2] =	stream.linear.scatter [tilespmem:s30], [sflag:$0x4], $0x80, $0x38;
	[tilespmem:$0x18E00] =	vst v63  }
0x183: {  	s23 =	sadd.s32 $0x13E50, s20;
	s24 =	sadd.s32 $0x80, s21  }
0x184: {  	[hbm4b:s24+s2] =	stream.linear.scatter [tilespmem:s23], [sflag:$0x4], $0x80, $0x38;
	[tilespmem:$0x18E00] =	vst v63  }
0x185: {  	s25 =	sadd.s32 $0x13ED8, s20;
	s26 =	sadd.s32 $0x90, s21  }
0x186: {  	[hbm4b:s26+s2] =	stream.linear.scatter [tilespmem:s25], [sflag:$0x4], $0x80, $0x38;
	[tilespmem:$0x18E00] =	vst v63  }
0x187: {  	s28 =	sadd.s32 $0x13F60, s20;
	s29 =	sadd.s32 $0xA0, s21  }
0x188: {  	[hbm4b:s29+s2] =	stream.linear.scatter [tilespmem:s28], [sflag:$0x4], $0x80, $0x38;
	[tilespmem:$0x18E00] =	vst v63  }
0x189: {  	s30 =	sadd.s32 $0x13FE8, s20;
	s31 =	sadd.s32 $0xB0, s21  }
0x18a: {  	[hbm4b:s31+s2] =	stream.linear.scatter [tilespmem:s30], [sflag:$0x4], $0x80, $0x38;
	[tilespmem:$0x18E00] =	vst v63  }
0x18b: {  	s23 =	sadd.s32 $0x14070, s20;
	s24 =	sadd.s32 $0xC0, s21  }
0x18c: {  	[hbm4b:s24+s2] =	stream.linear.scatter [tilespmem:s23], [sflag:$0x4], $0x80, $0x38;
	[tilespmem:$0x18E00] =	vst v63  }
0x18d: {  	s25 =	sadd.s32 $0x140F8, s20;
	s26 =	sadd.s32 $0xD0, s21  }
0x18e: {  	[hbm4b:s26+s2] =	stream.linear.scatter [tilespmem:s25], [sflag:$0x4], $0x80, $0x38;
	[tilespmem:$0x18E00] =	vst v63  }
0x18f: {  	s28 =	sadd.s32 $0x14180, s20;
	s29 =	sadd.s32 $0xE0, s21  }
0x190: {  	[hbm4b:s29+s2] =	stream.linear.scatter [tilespmem:s28], [sflag:$0x4], $0x80, $0x38;
	[tilespmem:$0x18E00] =	vst v63  }
0x191: {  	s30 =	sadd.s32 $0x14208, s20;
	s31 =	sadd.s32 $0xF0, s21  }
0x192: {  	[hbm4b:s31+s2] =	stream.linear.scatter [tilespmem:s30], [sflag:$0x4], $0x80, $0x38;
	[tilespmem:$0x18E00] =	vst v63  }
0x193: {  	s23 =	sadd.s32 $0x143A0, s20;
	s24 =	sadd.s32 $0x100, s21  }
0x194: {  	[hbm4b:s24+s2] =	stream.linear.scatter [tilespmem:s23], [sflag:$0x4], $0x80, $0x38;
	[tilespmem:$0x18E00] =	vst v63  }
0x195: {  	s25 =	sadd.s32 $0x14428, s20;
	s26 =	sadd.s32 $0x110, s21  }
0x196: {  	[hbm4b:s26+s2] =	stream.linear.scatter [tilespmem:s25], [sflag:$0x4], $0x80, $0x38;
	[tilespmem:$0x18E00] =	vst v63  }
0x197: {  	s28 =	sadd.s32 $0x144B0, s20;
	s29 =	sadd.s32 $0x120, s21  }
0x198: {  	[hbm4b:s29+s2] =	stream.linear.scatter [tilespmem:s28], [sflag:$0x4], $0x80, $0x38;
	[tilespmem:$0x18E00] =	vst v63  }
0x199: {  	s30 =	sadd.s32 $0x14538, s20;
	s31 =	sadd.s32 $0x130, s21  }
0x19a: {  	[hbm4b:s31+s2] =	stream.linear.scatter [tilespmem:s30], [sflag:$0x4], $0x80, $0x38;
	[tilespmem:$0x18E00] =	vst v63  }
0x19b: {  	s23 =	sadd.s32 $0x145C0, s20;
	s24 =	sadd.s32 $0x140, s21  }
0x19c: {  	[hbm4b:s24+s2] =	stream.linear.scatter [tilespmem:s23], [sflag:$0x4], $0x80, $0x38;
	[tilespmem:$0x18E00] =	vst v63  }
0x19d: {  	s25 =	sadd.s32 $0x14648, s20;
	s26 =	sadd.s32 $0x150, s21  }
0x19e: {  	[hbm4b:s26+s2] =	stream.linear.scatter [tilespmem:s25], [sflag:$0x4], $0x80, $0x38;
	[tilespmem:$0x18E00] =	vst v63  }
0x19f: {  	s28 =	sadd.s32 $0x146D0, s20;
	s29 =	sadd.s32 $0x160, s21  }
0x1a0: {  	[hbm4b:s29+s2] =	stream.linear.scatter [tilespmem:s28], [sflag:$0x4], $0x80, $0x38;
	[tilespmem:$0x18E00] =	vst v63  }
0x1a1: {  	s30 =	sadd.s32 $0x14758, s20;
	s31 =	sadd.s32 $0x170, s21  }
0x1a2: {  	[hbm4b:s31+s2] =	stream.linear.scatter [tilespmem:s30], [sflag:$0x4], $0x80, $0x38;
	[tilespmem:$0x18E00] =	vst v63  }
0x1a3: {  	s23 =	sadd.s32 $0x148F0, s20;
	s24 =	sadd.s32 $0x180, s21  }
0x1a4: {  	[hbm4b:s24+s2] =	stream.linear.scatter [tilespmem:s23], [sflag:$0x4], $0x80, $0x38;
	[tilespmem:$0x18E00] =	vst v63  }
0x1a5: {  	s25 =	sadd.s32 $0x14978, s20;
	s26 =	sadd.s32 $0x190, s21  }
0x1a6: {  	[hbm4b:s26+s2] =	stream.linear.scatter [tilespmem:s25], [sflag:$0x4], $0x80, $0x38;
	[tilespmem:$0x18E00] =	vst v63  }
0x1a7: {  	s28 =	sadd.s32 $0x14A00, s20;
	s29 =	sadd.s32 $0x1A0, s21  }
0x1a8: {  	[hbm4b:s29+s2] =	stream.linear.scatter [tilespmem:s28], [sflag:$0x4], $0x80, $0x38;
	[tilespmem:$0x18E00] =	vst v63  }
0x1a9: {  	s30 =	sadd.s32 $0x14A88, s20;
	s31 =	sadd.s32 $0x1B0, s21  }
0x1aa: {  	[hbm4b:s31+s2] =	stream.linear.scatter [tilespmem:s30], [sflag:$0x4], $0x80, $0x38;
	[tilespmem:$0x18E00] =	vst v63  }
0x1ab: {  	s23 =	sadd.s32 $0x14B10, s20;
	s24 =	sadd.s32 $0x1C0, s21  }
0x1ac: {  	[hbm4b:s24+s2] =	stream.linear.scatter [tilespmem:s23], [sflag:$0x4], $0x80, $0x38;
	[tilespmem:$0x18E00] =	vst v63  }
0x1ad: {  	s25 =	sadd.s32 $0x14B98, s20;
	s26 =	sadd.s32 $0x1D0, s21  }
0x1ae: {  	[hbm4b:s26+s2] =	stream.linear.scatter [tilespmem:s25], [sflag:$0x4], $0x80, $0x38;
	[tilespmem:$0x18E00] =	vst v63  }
.Ltmp7:
0x1af: {  	_ = 	snop;
	(pc) =	sbr.rel .LBB2_13-.Ltmp7, $4  }
0x1b0: {  	s28 =	sadd.s32 $0x14C20, s20;
	s29 =	sadd.s32 $0x1E0, s21  }
0x1b1: {  	[hbm4b:s29+s2] =	stream.linear.scatter [tilespmem:s28], [sflag:$0x4], $0x80, $0x38;
	[tilespmem:$0x18E00] =	vst v63  }
0x1b2: {  	s30 =	sadd.s32 $0x14CA8, s20;
	s31 =	sadd.s32 $0x1F0, s21  }
0x1b3: {  	[hbm4b:s31+s2] =	stream.linear.scatter [tilespmem:s30], [sflag:$0x4], $0x80, $0x38;
	[tilespmem:$0x18E00] =	vst v63  }
.LBB2_3:
0x1b4: {  	s20 =	sshll.u32 s19, $0x9  }
0x1b5: {  	s20 =	sand.u32 $0x3FFFFE00, s20  }
0x1b6: {  	s20 =	sadd.s32 $0x200, s20  }
0x1b7: {  	[tilespmem:s15], [sflag:$0x2] =	stream.indirect.gather [hbm4b:s3+s7], $0x20, s20, s7, $0xb8;
	[tilespmem:$0x18E00] =	vst v63  }
0x1b8: {  	s21 =	simm.s32 $0x0;
	s20 =	simm.s32 $0x0  }
0x1b9: {  	v3 =	vmov s21;
	_ =	swait.ge [sflag:s16], $0x4000;
	s22 =	sand.u32 $0x78, s20  }
0x1ba: {  	p0 =	slt.u32 s19, $0x2;
	v3 =	vmul.u32 $0x550, v3;
	[sflag:s16] =	ssyncset.done $0x0;
	v4 =	vmov s22  }
0x1bb: {  	s21 =	simm.s32 @!p0 $0x3;
	[sflag:s16] =	ssyncadd.s32 $0xFFFFC000;
	v4 =	vshrl.u32 v4, $0x3  }
0x1bc: {  	v3 =	vbroadcast v3, $0x0;
	_ =	swait.ge @!p0 [sflag:s21], $0x4000;
	v4 =	vshll.u32 v4, v1  }
0x1bd: {  	[sflag:s21] =	ssyncset.done @!p0 $0x0;
	v4 =	vbroadcast v4, $0x0  }
0x1be: {  	v6 =	vadd.s32 v0, v3;
	[sflag:s21] =	ssyncadd.s32 @!p0 $0xFFFFC000;
	s21 =	simm.s32 $0x6480  }
0x1bf: {  	v5 =	vld [tilespmem:s21+$0xFFFFFF80];
	v7 =	vadd.s32 v4, v6;
	_ =	sdelay $0x3  }
0x1c0: {  	s24 =	simm.s32 $0x1  }
0x1c1: {  	s22 =	sand.u32 $0x78, s24;
	v3 =	vadd.s32 v2, v3;
	[tilespmem:v7+s17+$0x0] =	vst.idx.msk $0xffff, v5  }
0x1c2: {  	v4 =	vadd.s32 v4, v3;
	v7 =	vmov s22;
	v5 =	vld [tilespmem:s21+$0xFFFFFF90]  }
0x1c3: {  	v7 =	vshrl.u32 v7, $0x3  }
0x1c4: {  	v7 =	vshll.u32 v7, v1  }
0x1c5: {  	v7 =	vbroadcast v7, $0x0;
	_ =	sdelay $0x1  }
0x1c6: {  	[tilespmem:v4+s17+$0x0] =	vst.idx.msk $0xffff, v5;
	v4 =	vadd.s32 v6, v7  }
0x1c7: {  	v5 =	vld [tilespmem:s21+$0xFFFFFFA0];
	v4 =	vor.u32 $0x1, v4;
	_ =	sdelay $0x3  }
0x1c8: {  	s25 =	simm.s32 $0x2  }
0x1c9: {  	s22 =	sand.u32 $0x78, s25;
	[tilespmem:v4+s17+$0x0] =	vst.idx.msk $0xffff, v5;
	v4 =	vadd.s32 v3, v7  }
0x1ca: {  	v7 =	vmov s22;
	v5 =	vld [tilespmem:s21+$0xFFFFFFB0];
	v4 =	vor.u32 $0x1, v4  }
0x1cb: {  	v7 =	vshrl.u32 v7, $0x3  }
0x1cc: {  	v7 =	vshll.u32 v7, v1  }
0x1cd: {  	v7 =	vbroadcast v7, $0x0;
	_ =	sdelay $0x1  }
0x1ce: {  	[tilespmem:v4+s17+$0x0] =	vst.idx.msk $0xffff, v5;
	v4 =	vadd.s32 v6, v7  }
0x1cf: {  	v5 =	vld [tilespmem:s21+$0xFFFFFFC0];
	v4 =	vor.u32 $0x2, v4;
	_ =	sdelay $0x3  }
0x1d0: {  	s26 =	simm.s32 $0x3  }
0x1d1: {  	s22 =	sand.u32 $0x78, s26;
	[tilespmem:v4+s17+$0x0] =	vst.idx.msk $0xffff, v5;
	v4 =	vadd.s32 v3, v7  }
0x1d2: {  	v7 =	vmov s22;
	v5 =	vld [tilespmem:s21+$0xFFFFFFD0];
	v4 =	vor.u32 $0x2, v4  }
0x1d3: {  	v7 =	vshrl.u32 v7, $0x3  }
0x1d4: {  	v7 =	vshll.u32 v7, v1  }
0x1d5: {  	v7 =	vbroadcast v7, $0x0;
	_ =	sdelay $0x1  }
0x1d6: {  	[tilespmem:v4+s17+$0x0] =	vst.idx.msk $0xffff, v5;
	v4 =	vadd.s32 v6, v7  }
0x1d7: {  	v5 =	vld [tilespmem:s21+$0xFFFFFFE0];
	v4 =	vor.u32 $0x3, v4;
	_ =	sdelay $0x3  }
0x1d8: {  	s28 =	simm.s32 $0x4  }
0x1d9: {  	s22 =	sand.u32 $0x78, s28;
	[tilespmem:v4+s17+$0x0] =	vst.idx.msk $0xffff, v5;
	v4 =	vadd.s32 v3, v7  }
0x1da: {  	v7 =	vmov s22;
	v5 =	vld [tilespmem:s21+$0xFFFFFFF0];
	v4 =	vor.u32 $0x3, v4  }
0x1db: {  	v7 =	vshrl.u32 v7, $0x3  }
0x1dc: {  	v7 =	vshll.u32 v7, v1  }
0x1dd: {  	v7 =	vbroadcast v7, $0x0;
	_ =	sdelay $0x1  }
0x1de: {  	[tilespmem:v4+s17+$0x0] =	vst.idx.msk $0xffff, v5;
	v4 =	vadd.s32 v6, v7  }
0x1df: {  	v5 =	vld [tilespmem:s21+$0x0];
	v4 =	vor.u32 $0x4, v4;
	_ =	sdelay $0x3  }
0x1e0: {  	s29 =	simm.s32 $0x5  }
0x1e1: {  	s22 =	sand.u32 $0x78, s29;
	[tilespmem:v4+s17+$0x0] =	vst.idx.msk $0xffff, v5;
	v4 =	vadd.s32 v3, v7  }
0x1e2: {  	v7 =	vmov s22;
	v5 =	vld [tilespmem:s21+$0x10];
	v4 =	vor.u32 $0x4, v4  }
0x1e3: {  	v7 =	vshrl.u32 v7, $0x3  }
0x1e4: {  	v7 =	vshll.u32 v7, v1  }
0x1e5: {  	v7 =	vbroadcast v7, $0x0;
	_ =	sdelay $0x1  }
0x1e6: {  	[tilespmem:v4+s17+$0x0] =	vst.idx.msk $0xffff, v5;
	v4 =	vadd.s32 v6, v7  }
0x1e7: {  	v5 =	vld [tilespmem:s21+$0x20];
	v4 =	vor.u32 $0x5, v4;
	_ =	sdelay $0x3  }
0x1e8: {  	s30 =	simm.s32 $0x6  }
0x1e9: {  	s22 =	sand.u32 $0x78, s30;
	[tilespmem:v4+s17+$0x0] =	vst.idx.msk $0xffff, v5;
	v4 =	vadd.s32 v3, v7  }
0x1ea: {  	v7 =	vmov s22;
	v5 =	vld [tilespmem:s21+$0x30];
	v4 =	vor.u32 $0x5, v4  }
0x1eb: {  	v7 =	vshrl.u32 v7, $0x3  }
0x1ec: {  	v7 =	vshll.u32 v7, v1  }
0x1ed: {  	v7 =	vbroadcast v7, $0x0;
	_ =	sdelay $0x1  }
0x1ee: {  	[tilespmem:v4+s17+$0x0] =	vst.idx.msk $0xffff, v5;
	v4 =	vadd.s32 v6, v7  }
0x1ef: {  	v5 =	vld [tilespmem:s21+$0x40];
	v4 =	vor.u32 $0x6, v4;
	_ =	sdelay $0x3  }
0x1f0: {  	s31 =	simm.s32 $0x7  }
0x1f1: {  	s22 =	sand.u32 $0x78, s31;
	[tilespmem:v4+s17+$0x0] =	vst.idx.msk $0xffff, v5;
	v4 =	vadd.s32 v3, v7  }
0x1f2: {  	v5 =	vmov s22;
	v7 =	vld [tilespmem:s21+$0x50];
	v4 =	vor.u32 $0x6, v4  }
0x1f3: {  	v5 =	vshrl.u32 v5, $0x3  }
0x1f4: {  	v5 =	vshll.u32 v5, v1  }
0x1f5: {  	v5 =	vbroadcast v5, $0x0;
	_ =	sdelay $0x1  }
0x1f6: {  	v6 =	vadd.s32 v6, v5;
	[tilespmem:v4+s17+$0x0] =	vst.idx.msk $0xffff, v7  }
0x1f7: {  	v6 =	vor.u32 $0x7, v6;
	v4 =	vld [tilespmem:s21+$0x60]  }
.LBB2_4:
0x1f8: {  	_ =	sdelay $0x2  }
0x1f9: {  	s22 =	smov.u32 s20;
	s20 =	sadd.s32 $0x8, s20  }
0x1fa: {  	v3 =	vadd.s32 v3, v5;
	s23 =	sshrl.u32 s20, $0x7;
	p0 =	slt.u32 s20, $0x1F8;
	[tilespmem:v6+s17+$0x0] =	vst.idx.msk $0xffff, v4  }
0x1fb: {  	s24 =	sand.u32 $0x78, s20;
	v3 =	vor.u32 $0x7, v3;
	v4 =	vmov s23;
	v5 =	vld [tilespmem:s21+$0x70]  }
0x1fc: {  	v6 =	vmov s24;
	v4 =	vmul.u32 $0x550, v4  }
0x1fd: {  	v6 =	vshrl.u32 v6, $0x3  }
0x1fe: {  	v7 =	vbroadcast v4, $0x0;
	v4 =	vshll.u32 v6, v1  }
0x1ff: {  	v6 =	vbroadcast v4, $0x0  }
0x200: {  	s21 =	sadd.s32 $0x100, s21;
	v4 =	vadd.s32 v0, v7;
	[tilespmem:v3+s17+$0x0] =	vst.idx.msk $0xffff, v5  }
0x201: {  	v5 =	vadd.s32 v6, v4;
	v3 =	vld [tilespmem:s21+$0xFFFFFF80];
	_ =	sdelay $0x3  }
0x202: {  	s23 =	sadd.s32 $0x9, s22  }
0x203: {  	s23 =	sand.u32 $0x78, s23;
	[tilespmem:v5+s17+$0x0] =	vst.idx.msk $0xffff, v3;
	v3 =	vadd.s32 v2, v7  }
0x204: {  	v7 =	vmov s23;
	v5 =	vld [tilespmem:s21+$0xFFFFFF90];
	v6 =	vadd.s32 v6, v3  }
0x205: {  	v7 =	vshrl.u32 v7, $0x3  }
0x206: {  	v7 =	vshll.u32 v7, v1  }
0x207: {  	v7 =	vbroadcast v7, $0x0;
	_ =	sdelay $0x1  }
0x208: {  	[tilespmem:v6+s17+$0x0] =	vst.idx.msk $0xffff, v5;
	v5 =	vadd.s32 v4, v7  }
0x209: {  	v6 =	vld [tilespmem:s21+$0xFFFFFFA0];
	v5 =	vor.u32 $0x1, v5;
	_ =	sdelay $0x3  }
0x20a: {  	s23 =	sadd.s32 $0xA, s22  }
0x20b: {  	s23 =	sand.u32 $0x78, s23;
	[tilespmem:v5+s17+$0x0] =	vst.idx.msk $0xffff, v6;
	v5 =	vadd.s32 v3, v7  }
0x20c: {  	v7 =	vmov s23;
	v6 =	vld [tilespmem:s21+$0xFFFFFFB0];
	v5 =	vor.u32 $0x1, v5  }
0x20d: {  	v7 =	vshrl.u32 v7, $0x3  }
0x20e: {  	v7 =	vshll.u32 v7, v1  }
0x20f: {  	v7 =	vbroadcast v7, $0x0;
	_ =	sdelay $0x1  }
0x210: {  	[tilespmem:v5+s17+$0x0] =	vst.idx.msk $0xffff, v6;
	v5 =	vadd.s32 v4, v7  }
0x211: {  	v6 =	vld [tilespmem:s21+$0xFFFFFFC0];
	v5 =	vor.u32 $0x2, v5;
	_ =	sdelay $0x3  }
0x212: {  	s23 =	sadd.s32 $0xB, s22  }
0x213: {  	s23 =	sand.u32 $0x78, s23;
	[tilespmem:v5+s17+$0x0] =	vst.idx.msk $0xffff, v6;
	v5 =	vadd.s32 v3, v7  }
0x214: {  	v7 =	vmov s23;
	v6 =	vld [tilespmem:s21+$0xFFFFFFD0];
	v5 =	vor.u32 $0x2, v5  }
0x215: {  	v7 =	vshrl.u32 v7, $0x3  }
0x216: {  	v7 =	vshll.u32 v7, v1  }
0x217: {  	v7 =	vbroadcast v7, $0x0;
	_ =	sdelay $0x1  }
0x218: {  	[tilespmem:v5+s17+$0x0] =	vst.idx.msk $0xffff, v6;
	v5 =	vadd.s32 v4, v7  }
0x219: {  	v6 =	vld [tilespmem:s21+$0xFFFFFFE0];
	v5 =	vor.u32 $0x3, v5;
	_ =	sdelay $0x3  }
0x21a: {  	s23 =	sadd.s32 $0xC, s22  }
0x21b: {  	s23 =	sand.u32 $0x78, s23;
	[tilespmem:v5+s17+$0x0] =	vst.idx.msk $0xffff, v6;
	v5 =	vadd.s32 v3, v7  }
0x21c: {  	v7 =	vmov s23;
	v6 =	vld [tilespmem:s21+$0xFFFFFFF0];
	v5 =	vor.u32 $0x3, v5  }
0x21d: {  	v7 =	vshrl.u32 v7, $0x3  }
0x21e: {  	v7 =	vshll.u32 v7, v1  }
0x21f: {  	v7 =	vbroadcast v7, $0x0;
	_ =	sdelay $0x1  }
0x220: {  	[tilespmem:v5+s17+$0x0] =	vst.idx.msk $0xffff, v6;
	v5 =	vadd.s32 v4, v7  }
0x221: {  	v6 =	vld [tilespmem:s21+$0x0];
	v5 =	vor.u32 $0x4, v5;
	_ =	sdelay $0x3  }
0x222: {  	s23 =	sadd.s32 $0xD, s22  }
0x223: {  	s23 =	sand.u32 $0x78, s23;
	[tilespmem:v5+s17+$0x0] =	vst.idx.msk $0xffff, v6;
	v5 =	vadd.s32 v3, v7  }
0x224: {  	v7 =	vmov s23;
	v6 =	vld [tilespmem:s21+$0x10];
	v5 =	vor.u32 $0x4, v5  }
0x225: {  	v7 =	vshrl.u32 v7, $0x3  }
0x226: {  	v7 =	vshll.u32 v7, v1  }
0x227: {  	v7 =	vbroadcast v7, $0x0;
	_ =	sdelay $0x1  }
0x228: {  	[tilespmem:v5+s17+$0x0] =	vst.idx.msk $0xffff, v6;
	v5 =	vadd.s32 v4, v7  }
0x229: {  	v6 =	vld [tilespmem:s21+$0x20];
	v5 =	vor.u32 $0x5, v5;
	_ =	sdelay $0x3  }
0x22a: {  	s23 =	sadd.s32 $0xE, s22  }
0x22b: {  	s23 =	sand.u32 $0x78, s23;
	[tilespmem:v5+s17+$0x0] =	vst.idx.msk $0xffff, v6;
	v5 =	vadd.s32 v3, v7  }
0x22c: {  	v7 =	vmov s23;
	v6 =	vld [tilespmem:s21+$0x30];
	v5 =	vor.u32 $0x5, v5  }
0x22d: {  	v7 =	vshrl.u32 v7, $0x3  }
0x22e: {  	v7 =	vshll.u32 v7, v1  }
0x22f: {  	v7 =	vbroadcast v7, $0x0;
	_ =	sdelay $0x1  }
0x230: {  	[tilespmem:v5+s17+$0x0] =	vst.idx.msk $0xffff, v6;
	v5 =	vadd.s32 v4, v7  }
0x231: {  	v6 =	vld [tilespmem:s21+$0x40];
	v5 =	vor.u32 $0x6, v5;
	_ =	sdelay $0x3  }
0x232: {  	s22 =	sadd.s32 $0xF, s22  }
0x233: {  	s22 =	sand.u32 $0x78, s22;
	[tilespmem:v5+s17+$0x0] =	vst.idx.msk $0xffff, v6;
	v5 =	vadd.s32 v3, v7  }
0x234: {  	v6 =	vld [tilespmem:s21+$0x50];
	v7 =	vor.u32 $0x6, v5;
	v5 =	vmov s22  }
0x235: {  	v5 =	vshrl.u32 v5, $0x3  }
.Ltmp8:
0x236: {  	v5 =	vshll.u32 v5, v1;
	(pc) =	sbr.rel @p0 .LBB2_4-.Ltmp8, $3  }
0x237: {  	v5 =	vbroadcast v5, $0x0;
	_ =	sdelay $0x1  }
0x238: {  	[tilespmem:v7+s17+$0x0] =	vst.idx.msk $0xffff, v6;
	v6 =	vadd.s32 v4, v5  }
0x239: {  	v4 =	vld [tilespmem:s21+$0x60];
	v6 =	vor.u32 $0x7, v6  }
0x23a: {  	_ =	sdelay $0x3  }
0x23b: {  	v3 =	vadd.s32 v3, v5;
	[tilespmem:v6+s17+$0x0] =	vst.idx.msk $0xffff, v4  }
0x23c: {  	v3 =	vor.u32 $0x7, v3;
	v4 =	vld [tilespmem:s21+$0x70];
	_ =	sdelay $0x3  }
0x23d: {  	s20 =	sshll.u32 s19, $0x10  }
0x23e: {  	s28 =	simm.s32 $0xE400;
	s21 =	sadd.s32 s20, s5;
	[tilespmem:v3+s17+$0x0] =	vst.idx.msk $0xffff, v4  }
0x23f: {  	[hbm4b:s21+s2] =	stream.linear.scatter [tilespmem:s28], [sflag:$0x3], $0x80, $0x38;
	[tilespmem:$0x18E00] =	vst v63  }
0x240: {  	s29 =	simm.s32 $0xE488;
	s22 =	sadd.s32 $0x10, s21  }
0x241: {  	[hbm4b:s22+s2] =	stream.linear.scatter [tilespmem:s29], [sflag:$0x3], $0x80, $0x38;
	[tilespmem:$0x18E00] =	vst v63  }
0x242: {  	s30 =	simm.s32 $0xE510;
	s31 =	sadd.s32 $0x20, s21  }
0x243: {  	[hbm4b:s31+s2] =	stream.linear.scatter [tilespmem:s30], [sflag:$0x3], $0x80, $0x38;
	[tilespmem:$0x18E00] =	vst v63  }
0x244: {  	s23 =	simm.s32 $0xE598;
	s24 =	sadd.s32 $0x30, s21  }
0x245: {  	[hbm4b:s24+s2] =	stream.linear.scatter [tilespmem:s23], [sflag:$0x3], $0x80, $0x38;
	[tilespmem:$0x18E00] =	vst v63  }
0x246: {  	s25 =	simm.s32 $0xE620;
	s26 =	sadd.s32 $0x40, s21  }
0x247: {  	[hbm4b:s26+s2] =	stream.linear.scatter [tilespmem:s25], [sflag:$0x3], $0x80, $0x38;
	[tilespmem:$0x18E00] =	vst v63  }
0x248: {  	s28 =	simm.s32 $0xE6A8;
	s29 =	sadd.s32 $0x50, s21  }
0x249: {  	[hbm4b:s29+s2] =	stream.linear.scatter [tilespmem:s28], [sflag:$0x3], $0x80, $0x38;
	[tilespmem:$0x18E00] =	vst v63  }
0x24a: {  	s30 =	simm.s32 $0xE730;
	s31 =	sadd.s32 $0x60, s21  }
0x24b: {  	[hbm4b:s31+s2] =	stream.linear.scatter [tilespmem:s30], [sflag:$0x3], $0x80, $0x38;
	[tilespmem:$0x18E00] =	vst v63  }
0x24c: {  	s23 =	simm.s32 $0xE7B8;
	s24 =	sadd.s32 $0x70, s21  }
0x24d: {  	[hbm4b:s24+s2] =	stream.linear.scatter [tilespmem:s23], [sflag:$0x3], $0x80, $0x38;
	[tilespmem:$0x18E00] =	vst v63  }
0x24e: {  	s25 =	simm.s32 $0xE950;
	s26 =	sadd.s32 $0x80, s21  }
0x24f: {  	[hbm4b:s26+s2] =	stream.linear.scatter [tilespmem:s25], [sflag:$0x3], $0x80, $0x38;
	[tilespmem:$0x18E00] =	vst v63  }
0x250: {  	s28 =	simm.s32 $0xE9D8;
	s29 =	sadd.s32 $0x90, s21  }
0x251: {  	[hbm4b:s29+s2] =	stream.linear.scatter [tilespmem:s28], [sflag:$0x3], $0x80, $0x38;
	[tilespmem:$0x18E00] =	vst v63  }
0x252: {  	s30 =	simm.s32 $0xEA60;
	s31 =	sadd.s32 $0xA0, s21  }
0x253: {  	[hbm4b:s31+s2] =	stream.linear.scatter [tilespmem:s30], [sflag:$0x3], $0x80, $0x38;
	[tilespmem:$0x18E00] =	vst v63  }
0x254: {  	s23 =	simm.s32 $0xEAE8;
	s24 =	sadd.s32 $0xB0, s21  }
0x255: {  	[hbm4b:s24+s2] =	stream.linear.scatter [tilespmem:s23], [sflag:$0x3], $0x80, $0x38;
	[tilespmem:$0x18E00] =	vst v63  }
0x256: {  	s25 =	simm.s32 $0xEB70;
	s26 =	sadd.s32 $0xC0, s21  }
0x257: {  	[hbm4b:s26+s2] =	stream.linear.scatter [tilespmem:s25], [sflag:$0x3], $0x80, $0x38;
	[tilespmem:$0x18E00] =	vst v63  }
0x258: {  	s28 =	simm.s32 $0xEBF8;
	s29 =	sadd.s32 $0xD0, s21  }
0x259: {  	[hbm4b:s29+s2] =	stream.linear.scatter [tilespmem:s28], [sflag:$0x3], $0x80, $0x38;
	[tilespmem:$0x18E00] =	vst v63  }
0x25a: {  	s30 =	simm.s32 $0xEC80;
	s31 =	sadd.s32 $0xE0, s21  }
0x25b: {  	[hbm4b:s31+s2] =	stream.linear.scatter [tilespmem:s30], [sflag:$0x3], $0x80, $0x38;
	[tilespmem:$0x18E00] =	vst v63  }
0x25c: {  	s23 =	simm.s32 $0xED08;
	s24 =	sadd.s32 $0xF0, s21  }
0x25d: {  	[hbm4b:s24+s2] =	stream.linear.scatter [tilespmem:s23], [sflag:$0x3], $0x80, $0x38;
	[tilespmem:$0x18E00] =	vst v63  }
0x25e: {  	s25 =	simm.s32 $0xEEA0;
	s26 =	sadd.s32 $0x100, s21  }
0x25f: {  	[hbm4b:s26+s2] =	stream.linear.scatter [tilespmem:s25], [sflag:$0x3], $0x80, $0x38;
	[tilespmem:$0x18E00] =	vst v63  }
0x260: {  	s28 =	simm.s32 $0xEF28;
	s29 =	sadd.s32 $0x110, s21  }
0x261: {  	[hbm4b:s29+s2] =	stream.linear.scatter [tilespmem:s28], [sflag:$0x3], $0x80, $0x38;
	[tilespmem:$0x18E00] =	vst v63  }
0x262: {  	s30 =	simm.s32 $0xEFB0;
	s31 =	sadd.s32 $0x120, s21  }
0x263: {  	[hbm4b:s31+s2] =	stream.linear.scatter [tilespmem:s30], [sflag:$0x3], $0x80, $0x38;
	[tilespmem:$0x18E00] =	vst v63  }
0x264: {  	s23 =	simm.s32 $0xF038;
	s24 =	sadd.s32 $0x130, s21  }
0x265: {  	[hbm4b:s24+s2] =	stream.linear.scatter [tilespmem:s23], [sflag:$0x3], $0x80, $0x38;
	[tilespmem:$0x18E00] =	vst v63  }
0x266: {  	s25 =	simm.s32 $0xF0C0;
	s26 =	sadd.s32 $0x140, s21  }
0x267: {  	[hbm4b:s26+s2] =	stream.linear.scatter [tilespmem:s25], [sflag:$0x3], $0x80, $0x38;
	[tilespmem:$0x18E00] =	vst v63  }
0x268: {  	s28 =	simm.s32 $0xF148;
	s29 =	sadd.s32 $0x150, s21  }
0x269: {  	[hbm4b:s29+s2] =	stream.linear.scatter [tilespmem:s28], [sflag:$0x3], $0x80, $0x38;
	[tilespmem:$0x18E00] =	vst v63  }
0x26a: {  	s30 =	simm.s32 $0xF1D0;
	s31 =	sadd.s32 $0x160, s21  }
0x26b: {  	[hbm4b:s31+s2] =	stream.linear.scatter [tilespmem:s30], [sflag:$0x3], $0x80, $0x38;
	[tilespmem:$0x18E00] =	vst v63  }
0x26c: {  	s23 =	simm.s32 $0xF258;
	s24 =	sadd.s32 $0x170, s21  }
0x26d: {  	[hbm4b:s24+s2] =	stream.linear.scatter [tilespmem:s23], [sflag:$0x3], $0x80, $0x38;
	[tilespmem:$0x18E00] =	vst v63  }
0x26e: {  	s25 =	simm.s32 $0xF3F0;
	s26 =	sadd.s32 $0x180, s21  }
0x26f: {  	[hbm4b:s26+s2] =	stream.linear.scatter [tilespmem:s25], [sflag:$0x3], $0x80, $0x38;
	[tilespmem:$0x18E00] =	vst v63  }
0x270: {  	s28 =	simm.s32 $0xF478;
	s29 =	sadd.s32 $0x190, s21  }
0x271: {  	[hbm4b:s29+s2] =	stream.linear.scatter [tilespmem:s28], [sflag:$0x3], $0x80, $0x38;
	[tilespmem:$0x18E00] =	vst v63  }
0x272: {  	s20 =	simm.s32 $0x1540;
	s30 =	simm.s32 $0xF500;
	s31 =	sadd.s32 $0x1A0, s21  }
0x273: {  	[hbm4b:s31+s2] =	stream.linear.scatter [tilespmem:s30], [sflag:$0x3], $0x80, $0x38;
	[tilespmem:$0x18E00] =	vst v63  }
0x274: {  	s22 =	simm.s32 $0xF7A8;
	s23 =	simm.s32 $0xF588;
	s24 =	sadd.s32 $0x1B0, s21  }
0x275: {  	[hbm4b:s24+s2] =	stream.linear.scatter [tilespmem:s23], [sflag:$0x3], $0x80, $0x38;
	[tilespmem:$0x18E00] =	vst v63  }
0x276: {  	s25 =	simm.s32 $0xF610;
	s26 =	sadd.s32 $0x1C0, s21;
	s28 =	simm.s32 $0xF698  }
0x277: {  	[hbm4b:s26+s2] =	stream.linear.scatter [tilespmem:s25], [sflag:$0x3], $0x80, $0x38;
	[tilespmem:$0x18E00] =	vst v63  }
0x278: {  	s29 =	sadd.s32 $0x1D0, s21;
	s30 =	simm.s32 $0xF720;
	s31 =	sadd.s32 $0x1E0, s21  }
0x279: {  	[hbm4b:s29+s2] =	stream.linear.scatter [tilespmem:s28], [sflag:$0x3], $0x80, $0x38;
	[tilespmem:$0x18E00] =	vst v63  }
0x27a: {  	s24 =	simm.s32 $0xAA00;
	s25 =	sadd.s32 $0x1F0, s21;
	s21 =	sadd.s32 $0x4000, s21  }
0x27b: {  	[hbm4b:s31+s2] =	stream.linear.scatter [tilespmem:s30], [sflag:$0x3], $0x80, $0x38;
	[tilespmem:$0x18E00] =	vst v63  }
.LBB2_6:
0x27c: {  	[hbm4b:s25+s2] =	stream.linear.scatter [tilespmem:s22], [sflag:$0x3], $0x80, $0x38;
	[tilespmem:$0x18E00] =	vst v63  }
0x27d: {  	s22 =	smov.u32 s20;
	s20 =	smov.u32 s24  }
0x27e: {  	s23 =	sadd.s32 $0x5500, s24;
	s20 =	sshra.s32 s20, $0x2;
	s25 =	sadd.s32 $0xE400, s22  }
0x27f: {  	[hbm4b:s21+s2] =	stream.linear.scatter [tilespmem:s25], [sflag:$0x3], $0x80, $0x38;
	[tilespmem:$0x18E00] =	vst v63  }
0x280: {  	p0 =	seq.s32 s24, $0xFF00;
	s24 =	sadd.s32 $0xE488, s22;
	s25 =	sadd.s32 $0x10, s21  }
0x281: {  	[hbm4b:s25+s2] =	stream.linear.scatter [tilespmem:s24], [sflag:$0x3], $0x80, $0x38;
	[tilespmem:$0x18E00] =	vst v63  }
0x282: {  	s24 =	sadd.s32 $0xE510, s22;
	s25 =	sadd.s32 $0x20, s21  }
0x283: {  	[hbm4b:s25+s2] =	stream.linear.scatter [tilespmem:s24], [sflag:$0x3], $0x80, $0x38;
	[tilespmem:$0x18E00] =	vst v63  }
0x284: {  	s24 =	sadd.s32 $0xE598, s22;
	s25 =	sadd.s32 $0x30, s21  }
0x285: {  	[hbm4b:s25+s2] =	stream.linear.scatter [tilespmem:s24], [sflag:$0x3], $0x80, $0x38;
	[tilespmem:$0x18E00] =	vst v63  }
0x286: {  	s24 =	sadd.s32 $0xE620, s22;
	s25 =	sadd.s32 $0x40, s21  }
0x287: {  	[hbm4b:s25+s2] =	stream.linear.scatter [tilespmem:s24], [sflag:$0x3], $0x80, $0x38;
	[tilespmem:$0x18E00] =	vst v63  }
0x288: {  	s24 =	sadd.s32 $0xE6A8, s22;
	s25 =	sadd.s32 $0x50, s21  }
0x289: {  	[hbm4b:s25+s2] =	stream.linear.scatter [tilespmem:s24], [sflag:$0x3], $0x80, $0x38;
	[tilespmem:$0x18E00] =	vst v63  }
0x28a: {  	s24 =	sadd.s32 $0xE730, s22;
	s25 =	sadd.s32 $0x60, s21  }
0x28b: {  	[hbm4b:s25+s2] =	stream.linear.scatter [tilespmem:s24], [sflag:$0x3], $0x80, $0x38;
	[tilespmem:$0x18E00] =	vst v63  }
0x28c: {  	s24 =	sadd.s32 $0xE7B8, s22;
	s25 =	sadd.s32 $0x70, s21  }
0x28d: {  	[hbm4b:s25+s2] =	stream.linear.scatter [tilespmem:s24], [sflag:$0x3], $0x80, $0x38;
	[tilespmem:$0x18E00] =	vst v63  }
0x28e: {  	s24 =	sadd.s32 $0xE950, s22;
	s25 =	sadd.s32 $0x80, s21  }
0x28f: {  	[hbm4b:s25+s2] =	stream.linear.scatter [tilespmem:s24], [sflag:$0x3], $0x80, $0x38;
	[tilespmem:$0x18E00] =	vst v63  }
0x290: {  	s24 =	sadd.s32 $0xE9D8, s22;
	s25 =	sadd.s32 $0x90, s21  }
0x291: {  	[hbm4b:s25+s2] =	stream.linear.scatter [tilespmem:s24], [sflag:$0x3], $0x80, $0x38;
	[tilespmem:$0x18E00] =	vst v63  }
0x292: {  	s24 =	sadd.s32 $0xEA60, s22;
	s25 =	sadd.s32 $0xA0, s21  }
0x293: {  	[hbm4b:s25+s2] =	stream.linear.scatter [tilespmem:s24], [sflag:$0x3], $0x80, $0x38;
	[tilespmem:$0x18E00] =	vst v63  }
0x294: {  	s24 =	sadd.s32 $0xEAE8, s22;
	s25 =	sadd.s32 $0xB0, s21  }
0x295: {  	[hbm4b:s25+s2] =	stream.linear.scatter [tilespmem:s24], [sflag:$0x3], $0x80, $0x38;
	[tilespmem:$0x18E00] =	vst v63  }
0x296: {  	s24 =	sadd.s32 $0xEB70, s22;
	s25 =	sadd.s32 $0xC0, s21  }
0x297: {  	[hbm4b:s25+s2] =	stream.linear.scatter [tilespmem:s24], [sflag:$0x3], $0x80, $0x38;
	[tilespmem:$0x18E00] =	vst v63  }
0x298: {  	s24 =	sadd.s32 $0xEBF8, s22;
	s25 =	sadd.s32 $0xD0, s21  }
0x299: {  	[hbm4b:s25+s2] =	stream.linear.scatter [tilespmem:s24], [sflag:$0x3], $0x80, $0x38;
	[tilespmem:$0x18E00] =	vst v63  }
0x29a: {  	s24 =	sadd.s32 $0xEC80, s22;
	s25 =	sadd.s32 $0xE0, s21  }
0x29b: {  	[hbm4b:s25+s2] =	stream.linear.scatter [tilespmem:s24], [sflag:$0x3], $0x80, $0x38;
	[tilespmem:$0x18E00] =	vst v63  }
0x29c: {  	s24 =	sadd.s32 $0xED08, s22;
	s25 =	sadd.s32 $0xF0, s21  }
0x29d: {  	[hbm4b:s25+s2] =	stream.linear.scatter [tilespmem:s24], [sflag:$0x3], $0x80, $0x38;
	[tilespmem:$0x18E00] =	vst v63  }
0x29e: {  	s24 =	sadd.s32 $0xEEA0, s22;
	s25 =	sadd.s32 $0x100, s21  }
0x29f: {  	[hbm4b:s25+s2] =	stream.linear.scatter [tilespmem:s24], [sflag:$0x3], $0x80, $0x38;
	[tilespmem:$0x18E00] =	vst v63  }
0x2a0: {  	s24 =	sadd.s32 $0xEF28, s22;
	s25 =	sadd.s32 $0x110, s21  }
0x2a1: {  	[hbm4b:s25+s2] =	stream.linear.scatter [tilespmem:s24], [sflag:$0x3], $0x80, $0x38;
	[tilespmem:$0x18E00] =	vst v63  }
0x2a2: {  	s24 =	sadd.s32 $0xEFB0, s22;
	s25 =	sadd.s32 $0x120, s21  }
0x2a3: {  	[hbm4b:s25+s2] =	stream.linear.scatter [tilespmem:s24], [sflag:$0x3], $0x80, $0x38;
	[tilespmem:$0x18E00] =	vst v63  }
0x2a4: {  	s24 =	sadd.s32 $0xF038, s22;
	s25 =	sadd.s32 $0x130, s21  }
0x2a5: {  	[hbm4b:s25+s2] =	stream.linear.scatter [tilespmem:s24], [sflag:$0x3], $0x80, $0x38;
	[tilespmem:$0x18E00] =	vst v63  }
0x2a6: {  	s24 =	sadd.s32 $0xF0C0, s22;
	s25 =	sadd.s32 $0x140, s21  }
0x2a7: {  	[hbm4b:s25+s2] =	stream.linear.scatter [tilespmem:s24], [sflag:$0x3], $0x80, $0x38;
	[tilespmem:$0x18E00] =	vst v63  }
0x2a8: {  	s24 =	sadd.s32 $0xF148, s22;
	s25 =	sadd.s32 $0x150, s21  }
0x2a9: {  	[hbm4b:s25+s2] =	stream.linear.scatter [tilespmem:s24], [sflag:$0x3], $0x80, $0x38;
	[tilespmem:$0x18E00] =	vst v63  }
0x2aa: {  	s24 =	sadd.s32 $0xF1D0, s22;
	s25 =	sadd.s32 $0x160, s21  }
0x2ab: {  	[hbm4b:s25+s2] =	stream.linear.scatter [tilespmem:s24], [sflag:$0x3], $0x80, $0x38;
	[tilespmem:$0x18E00] =	vst v63  }
0x2ac: {  	s24 =	sadd.s32 $0xF258, s22;
	s25 =	sadd.s32 $0x170, s21  }
0x2ad: {  	[hbm4b:s25+s2] =	stream.linear.scatter [tilespmem:s24], [sflag:$0x3], $0x80, $0x38;
	[tilespmem:$0x18E00] =	vst v63  }
0x2ae: {  	s24 =	sadd.s32 $0xF3F0, s22;
	s25 =	sadd.s32 $0x180, s21  }
0x2af: {  	[hbm4b:s25+s2] =	stream.linear.scatter [tilespmem:s24], [sflag:$0x3], $0x80, $0x38;
	[tilespmem:$0x18E00] =	vst v63  }
0x2b0: {  	s24 =	sadd.s32 $0xF478, s22;
	s25 =	sadd.s32 $0x190, s21  }
0x2b1: {  	[hbm4b:s25+s2] =	stream.linear.scatter [tilespmem:s24], [sflag:$0x3], $0x80, $0x38;
	[tilespmem:$0x18E00] =	vst v63  }
0x2b2: {  	s24 =	sadd.s32 $0xF500, s22;
	s25 =	sadd.s32 $0x1A0, s21  }
0x2b3: {  	[hbm4b:s25+s2] =	stream.linear.scatter [tilespmem:s24], [sflag:$0x3], $0x80, $0x38;
	[tilespmem:$0x18E00] =	vst v63  }
0x2b4: {  	s24 =	sadd.s32 $0xF588, s22;
	s25 =	sadd.s32 $0x1B0, s21  }
0x2b5: {  	[hbm4b:s25+s2] =	stream.linear.scatter [tilespmem:s24], [sflag:$0x3], $0x80, $0x38;
	[tilespmem:$0x18E00] =	vst v63  }
0x2b6: {  	s24 =	sadd.s32 $0xF610, s22;
	s25 =	sadd.s32 $0x1C0, s21  }
0x2b7: {  	[hbm4b:s25+s2] =	stream.linear.scatter [tilespmem:s24], [sflag:$0x3], $0x80, $0x38;
	[tilespmem:$0x18E00] =	vst v63  }
.Ltmp9:
0x2b8: {  	s24 =	sadd.s32 $0xF698, s22;
	s25 =	sadd.s32 $0x1D0, s21;
	(pc) =	sbr.rel @!p0 .LBB2_6-.Ltmp9, $4  }
0x2b9: {  	[hbm4b:s25+s2] =	stream.linear.scatter [tilespmem:s24], [sflag:$0x3], $0x80, $0x38;
	[tilespmem:$0x18E00] =	vst v63  }
0x2ba: {  	s24 =	sadd.s32 $0xF720, s22;
	s25 =	sadd.s32 $0x1E0, s21;
	s22 =	sadd.s32 $0xF7A8, s22  }
0x2bb: {  	[hbm4b:s25+s2] =	stream.linear.scatter [tilespmem:s24], [sflag:$0x3], $0x80, $0x38;
	[tilespmem:$0x18E00] =	vst v63  }
0x2bc: {  	s25 =	sadd.s32 $0x1F0, s21;
	s21 =	sadd.s32 $0x4000, s21;
	s24 =	smov.u32 s23  }
.Ltmp10:
0x2bd: {  	_ = 	snop;
	(pc) =	sbr.rel .LBB2_7-.Ltmp10, $1  }
0x2be: {  	_ =	sdelay $0x3  }
.LBB2_15:
0x2bf: {  	_ =	sfence.sel $0x180000  }
0x2c0: {  	[bflag:$0x0] =	sbarrier.arrive $0xFFFF  }
0x2c1: {  	p0 =	sne.s32 s1, $0x0;
	_ =	strace $0x90000047  }
0x2c2: {  	s0 =	sadd.s32 @!p0 $0x100000, s0;
	[bflag:$0x2] =	sbarrier.arrive $0xFFFF  }
0x2c3: {  	[sflag:s0] =	ssyncadd.tile.s32 @!p0 $0x1;
	_ =	shalt  }
.Lfunc_end2:
_tile_overlayer_lowered:
.L_overlay_start_2:
0x2c4: {  	(tag) =	ssettag $0x2  }
0x2c5: {  	s0 =	rddreg [dreg:$0x0];
	s2 =	stileid.u32  }
0x2c6: {  	s1 =	rddreg [dreg:$0x1];
	p0 =	sne.s32 s2, $0x0  }
0x2c7: {  	s3 =	rddreg [dreg:$0x2];
	[bflag:$0x3] =	sbarrier.arrive $0xFFFF;
	s2 =	simm.s32 @!p0 $0x1C05  }
0x2c8: {  	[timem:s3], [sflag:s2] =	dma.local @!p0 [hbm:s0], s1  }
0x2c9: {  	s0 =	simm.s32 @!p0 $0x5  }
0x2ca: {  	_ =	swait.ge @!p0 [sflag:s0], s1  }
0x2cb: {  	s1 =	ssub.s32 @!p0 $0x0, s1;
	[sflag:s0] =	ssyncset.done @!p0 $0x0  }
0x2cc: {  	[sflag:s0] =	ssyncadd.s32 @!p0 s1  }
0x2cd: {  	[bflag:$0x3] =	sbarrier.arrive $0xFFFF  }
0x2ce: {  	_ =	shalt  }

</sc_bundles>
